<compile_context>
chip_gen: v7x
topology: tpu7x:2x2x1
jax: 0.10.2.dev20260603
libtpu: 0.0.44.dev20260713+nightly
codegen_flags: <defaults>
</compile_context>

<pallas_src>
import jax
import jax.numpy as jnp
from jax.experimental import pallas as pl
from jax.experimental.pallas import tpu as pltpu
from jax.experimental.pallas import tpu_sc as plsc

_GROUPS = 8
_POOL = 256
_TOPK = 8
_L = 12
_R = 4
_H = 768
_GH = 96
_BATCH = 1024

_HIGH = jax.lax.Precision.HIGHEST


def _sim_topk_body(x_ref, k_ref, dw_ref, idx_ref):
    x = x_ref[...]
    seg = jax.lax.broadcasted_iota(jnp.int32, (_GROUPS * _GH, _GROUPS), 0)
    gid = jax.lax.broadcasted_iota(jnp.int32, (_GROUPS * _GH, _GROUPS), 1)
    s_mat = (seg // _GH == gid).astype(jnp.float32)
    ns = jax.lax.dot_general(
        x * x, s_mat, (((1,), (0,)), ((), ())),
        preferred_element_type=jnp.float32)
    inv = jax.lax.rsqrt(jnp.maximum(ns, 1e-16))
    scale = jax.lax.dot_general(
        inv, s_mat, (((1,), (1,)), ((), ())),
        preferred_element_type=jnp.float32)
    qsum = jnp.sum(x * scale, axis=0, keepdims=True)

    k3 = k_ref[0]
    kns = jnp.sum(k3 * k3, axis=2, keepdims=True)
    kn = k3 * jax.lax.rsqrt(jnp.maximum(kns, 1e-16))

    sim = jnp.zeros((1, _POOL), jnp.float32)
    for g in range(_GROUPS):
        qg = qsum[:, g * _GH:(g + 1) * _GH]
        sim = sim + jax.lax.dot_general(
            qg, kn[g], (((1,), (1,)), ((), ())),
            precision=_HIGH, preferred_element_type=jnp.float32)

    v = sim / float(_BATCH * _GROUPS)
    lane = jax.lax.broadcasted_iota(jnp.int32, (1, _POOL), 1)
    vals, idxs = [], []
    for _ in range(_TOPK):
        m = jnp.max(v)
        ii = jnp.min(jnp.where(v == m, lane, _POOL))
        vals.append(m)
        idxs.append(ii)
        v = jnp.where(lane == ii, -jnp.inf, v)
    total = vals[0]
    for k in range(1, _TOPK):
        total = total + vals[k]
    denom = total + 1e-9
    for k in range(_TOPK):
        dw_ref[k] = vals[k] / denom
        for j in range(8):
            idx_ref[k * 8 + j] = idxs[k]


def _sim_topk(x3, k3):
    return pl.pallas_call(
        _sim_topk_body,
        in_specs=[pl.BlockSpec(memory_space=pltpu.VMEM),
                  pl.BlockSpec(memory_space=pltpu.VMEM)],
        out_specs=(pl.BlockSpec(memory_space=pltpu.SMEM),
                   pl.BlockSpec(memory_space=pltpu.SMEM)),
        out_shape=(jax.ShapeDtypeStruct((_TOPK,), jnp.float32),
                   jax.ShapeDtypeStruct((_TOPK * 8,), jnp.int32)),
    )(x3, k3)


def _sc_gather(wo5, idx):
    mesh = plsc.VectorSubcoreMesh(core_axis_name="c", subcore_axis_name="s")
    row = _R * _H * _L
    units = 2 * 16
    slices_per_row = units // (_TOPK * 2)
    chunk = row // slices_per_row

    @pl.kernel(
        out_type=jax.ShapeDtypeStruct((2 * _TOPK, row), jnp.float32),
        mesh=mesh,
        scratch_types=[pltpu.VMEM((_TOPK * 8,), jnp.int32),
                       pltpu.VMEM((1, 2, row), jnp.float32),
                       pltpu.SemaphoreType.DMA,
                       pltpu.SemaphoreType.DMA],
    )
    def gather_kernel(wo_ref, idx_ref, g_ref, idx_vmem, row_vmem, sem_i,
                      sem_d):
        c = jax.lax.axis_index("c")
        s = jax.lax.axis_index("s")
        u = c * 16 + s

        @pl.when(u < _TOPK)
        def _():
            pltpu.async_copy(idx_ref, idx_vmem, sem_i).wait()
            iv = idx_vmem.at[pl.ds(u * 8, 1)]
            pltpu.async_copy(wo_ref.at[iv], row_vmem, sem_d).wait()
            ca = pltpu.async_copy(
                row_vmem.at[pl.ds(0, 1), 0], g_ref.at[pl.ds(u, 1)], sem_d)
            cb = pltpu.async_copy(
                row_vmem.at[pl.ds(0, 1), 1],
                g_ref.at[pl.ds(_TOPK + u, 1)], sem_d)
            ca.wait()
            cb.wait()

    return gather_kernel(wo5, idx)


def _combine_body(dw_ref, a_ref, b_ref, o_ref):
    ab = a_ref[...]
    bb = b_ref[...]
    a = jnp.concatenate(
        [ab[:, r * _H:(r + 1) * _H] for r in range(_R)], axis=0)
    b = jnp.concatenate(
        [bb[:, r * _H:(r + 1) * _H] for r in range(_R)], axis=0)
    rows = jax.lax.broadcasted_iota(jnp.int32, (_TOPK * _R, _H), 0) % _TOPK
    w = jnp.zeros((_TOPK * _R, _H), jnp.float32)
    for n in range(_TOPK):
        w = jnp.where(rows == n, dw_ref[n], w)
    o_ref[0] = jax.lax.dot_general(
        a * w, b, (((0,), (0,)), ((), ())),
        preferred_element_type=jnp.float32)


def _combine(dw, g):
    return pl.pallas_call(
        _combine_body,
        grid=(_L,),
        in_specs=[
            pl.BlockSpec(memory_space=pltpu.SMEM),
            pl.BlockSpec((_TOPK, _R * _H), lambda l: (0, l)),
            pl.BlockSpec((_TOPK, _R * _H), lambda l: (1, l)),
        ],
        out_specs=pl.BlockSpec((1, _H, _H), lambda l: (l, 0, 0)),
        out_shape=jax.ShapeDtypeStruct((_L, _H, _H), jnp.float32),
        compiler_params=pltpu.CompilerParams(
            dimension_semantics=("parallel",)),
    )(dw, g, g)


def kernel(inputs, keys, weight_offset):
    dw, idx = _sim_topk(inputs, keys)
    g = _sc_gather(weight_offset, idx)
    return _combine(dw, g)

# --- scband reference (transcript-rebuilt; emitter-appended) ---
"""Pipeline reference for scband-retriever-39367670235663 (READ-ONLY COPY).

The authoritative reference and input builder live on the scoring server;
editing this copy changes nothing except your own understanding.
"""

import jax, jax.numpy as jnp
import numpy as np

GROUPS = 8
POOL = 256
TOPK = 8
L = 12
R = 4
H = 768
MODEL_H = 768
BATCH = 1024

def setup_inputs(seed: int = 0) -> dict:
    key = jax.random.key(seed)
    k1, k2, k3 = jax.random.split(key, 3)
    inputs = jax.random.normal(k1, (BATCH, MODEL_H), dtype=jnp.float32)
    # keys param: shape [1, groups, pool_size, key_hidden]; original uses orthogonal init,
    # cosine similarity normalizes so random normal is statistically equivalent for the math.
    keys = jax.random.normal(k2, (1, GROUPS, POOL, MODEL_H // GROUPS), dtype=jnp.float32)
    # weight_offset param: [pool_size, 2, hidden*low_rank*num_layers]. Original inits slot 0 to zeros
    # (which makes output identically zero); we use small normal in both slots so output is nontrivial.
    weight_offset = jax.random.normal(k3, (POOL, 2, H * R * L), dtype=jnp.float32) * 0.02
    return {"inputs": inputs, "keys": keys, "weight_offset": weight_offset}

def reference(inputs, keys, weight_offset):
    # encode() is a frozen BERT + mean pooling; we treat `inputs` as the pre-encoded
    # sentence embeddings [B, model_hidden_size] (frozen, no_grad in the original).
    b = inputs.shape[0]
    q = inputs.reshape(b, GROUPS, MODEL_H // GROUPS)
    # cosine similarity between each group-query and each pooled key
    qn = q / jnp.maximum(jnp.linalg.norm(q, axis=-1, keepdims=True), 1e-8)
    k0 = keys[0]
    kn = k0 / jnp.maximum(jnp.linalg.norm(k0, axis=-1, keepdims=True), 1e-8)
    sim = jnp.einsum('bgc,gpc->bgp', qn, kn)  # [B, G, POOL]
    # idx_sim = sim.clone().detach()
    idx_sim = jax.lax.stop_gradient(sim)
    # use_distance_weight=True path: mean over batch and groups
    idx_sim = jnp.mean(idx_sim, axis=(0, 1))  # [POOL]
    dis_weight, idx_vote = jax.lax.top_k(idx_sim, TOPK)
    dis_weight = dis_weight / (dis_weight.sum() + 1e-9)
    # gather the selected low-rank weight offsets
    wo = jnp.take(weight_offset, idx_vote, axis=0)  # [TOPK, 2, H*R*L]
    low_rank_a = wo[:, 0, :].reshape(TOPK, L, R, H)
    low_rank_b = wo[:, 1, :].reshape(TOPK, L, R, H)
    wo = jnp.einsum('nlrx,nlry->nlxy', low_rank_a, low_rank_b)  # [TOPK, L, H, H]
    out = (dis_weight[:, None, None, None] * wo).sum(0)  # [L, H, H]
    return out

if __name__ == "__main__":
    import jax
    _d = setup_inputs()
    print(jax.jit(kernel)(*tuple(_d.values())))

</pallas_src>

<mosaic_0001>
#map = affine_map<(d0, d1) -> (0, 0, 0)>
#map1 = affine_map<(d0, d1) -> (0)>
#map2 = affine_map<(d0, d1) -> (0, 0)>
module attributes {stable_mosaic.version = 14 : i64} {
  func.func @gather_kernel(%arg0: i32, %arg1: i32, %arg2: memref<256x2x36864xf32, #tpu.memory_space<hbm>>, %arg3: memref<64xi32, #tpu.memory_space<hbm>>, %arg4: memref<16x36864xf32, #tpu.memory_space<hbm>>, %arg5: memref<64xi32, #tpu.memory_space<vmem>>, %arg6: memref<1x2x36864xf32, #tpu.memory_space<vmem>>, %arg7: memref<!tpu.dma_semaphore, #tpu.memory_space<semaphore_mem>>, %arg8: memref<!tpu.dma_semaphore, #tpu.memory_space<semaphore_mem>>) attributes {dimension_semantics = [#tpu.dimension_semantics<core_parallel>, #tpu.dimension_semantics<subcore_parallel>], iteration_bounds = array<i64: 2, 16>, scalar_prefetch = 0 : i64, scratch_operands = 4 : i64, tpu.core_type = #tpu.core_type<sc_vector_subcore>, window_params = [{transform_indices = #map}, {transform_indices = #map1}, {transform_indices = #map2}]} {
    %mul3A = arith.constant 16 : i32
    %mul3A_0 = arith.muli %arg0, %mul3A : i32
    %add3A = arith.addi %mul3A_0, %arg1 : i32
    %lt3A = arith.constant 8 : i32
    %lt3A_1 = arith.cmpi slt, %add3A, %lt3A : i32
    %convert_element_type3A = arith.extui %lt3A_1 : i1 to i32
    %cond3A = arith.constant 0 : i32
    %cond3A_2 = arith.cmpi ne, %convert_element_type3A, %cond3A : i32
    scf.if %cond3A_2 {
      tpu.enqueue_dma source(%arg3 : memref<64xi32, #tpu.memory_space<hbm>>) target(%arg5 : memref<64xi32, #tpu.memory_space<vmem>>) target_semaphore(%arg7 : memref<!tpu.dma_semaphore, #tpu.memory_space<semaphore_mem>>)
      tpu.wait_dma2 semaphore(%arg7 : memref<!tpu.dma_semaphore, #tpu.memory_space<semaphore_mem>>) src(%arg3 : memref<64xi32, #tpu.memory_space<hbm>>) dst(%arg5 : memref<64xi32, #tpu.memory_space<vmem>>)
      %mul3A_3 = arith.constant 8 : i32
      %mul3A_4 = arith.muli %add3A, %mul3A_3 : i32
      %dma_start3A = tpu.memref_slice %arg5[%mul3A_4] : memref<64xi32, #tpu.memory_space<vmem>> -> memref<1xi32, #tpu.memory_space<vmem>>
      %dma_start3A_5 = arith.constant 0 : i32
      %dma_start3A_6 = arith.constant 0 : i32
      %dma_start3A_7 = arith.constant 0 : i32
      %dma_start3A_8 = tpu.memref_slice %arg2[%dma_start3A_5, %dma_start3A_6, %dma_start3A_7] : memref<256x2x36864xf32, #tpu.memory_space<hbm>> -> memref<256x2x36864xf32, #tpu.memory_space<hbm>>
      tpu.enqueue_indirect_dma source(%dma_start3A_8 : memref<256x2x36864xf32, #tpu.memory_space<hbm>>) target(%arg6 : memref<1x2x36864xf32, #tpu.memory_space<vmem>>) offsets(%dma_start3A : memref<1xi32, #tpu.memory_space<vmem>>) semaphore(%arg8 : memref<!tpu.dma_semaphore, #tpu.memory_space<semaphore_mem>>)
      %dma_wait3A = tpu.memref_slice %arg5[%mul3A_4] : memref<64xi32, #tpu.memory_space<vmem>> -> memref<1xi32, #tpu.memory_space<vmem>>
      %dma_wait3A_9 = arith.constant 0 : i32
      %dma_wait3A_10 = arith.constant 0 : i32
      %dma_wait3A_11 = arith.constant 0 : i32
      %dma_wait3A_12 = tpu.memref_slice %arg2[%dma_wait3A_9, %dma_wait3A_10, %dma_wait3A_11] : memref<256x2x36864xf32, #tpu.memory_space<hbm>> -> memref<256x2x36864xf32, #tpu.memory_space<hbm>>
      tpu.wait_indirect_dma semaphore(%arg8 : memref<!tpu.dma_semaphore, #tpu.memory_space<semaphore_mem>>) src(%dma_wait3A_12 : memref<256x2x36864xf32, #tpu.memory_space<hbm>>) dst(%arg6 : memref<1x2x36864xf32, #tpu.memory_space<vmem>>)
      %dma_start3A_13 = arith.constant 0 : i32
      %dma_start3A_14 = arith.constant 0 : i32
      %dma_start3A_15 = arith.constant 0 : i32
      %dma_start3A_16 = tpu.memref_slice %arg6[%dma_start3A_14, %dma_start3A_13, %dma_start3A_15] : memref<1x2x36864xf32, #tpu.memory_space<vmem>> -> memref<1x1x36864xf32, #tpu.memory_space<vmem>>
      %dma_start3A_17 = tpu.memref_squeeze %dma_start3A_16 : memref<1x1x36864xf32, #tpu.memory_space<vmem>> -> memref<1x36864xf32, #tpu.memory_space<vmem>>
      %dma_start3A_18 = arith.constant 0 : i32
      %dma_start3A_19 = tpu.memref_slice %arg4[%add3A, %dma_start3A_18] : memref<16x36864xf32, #tpu.memory_space<hbm>> -> memref<1x36864xf32, #tpu.memory_space<hbm>>
      %dma_start3A_20 = arith.constant 0 : i32
      %dma_start3A_21 = tpu.memref_slice %arg4[%add3A, %dma_start3A_20] : memref<16x36864xf32, #tpu.memory_space<hbm>> -> memref<1x36864xf32, #tpu.memory_space<hbm>>
      %dma_start3A_22 = arith.constant 0 : i32
      %dma_start3A_23 = arith.constant 0 : i32
      %dma_start3A_24 = tpu.memref_slice %arg6[%dma_start3A_22, %dma_start3A_13, %dma_start3A_23] : memref<1x2x36864xf32, #tpu.memory_space<vmem>> -> memref<1x1x36864xf32, #tpu.memory_space<vmem>>
      %dma_start3A_25 = tpu.memref_squeeze %dma_start3A_24 : memref<1x1x36864xf32, #tpu.memory_space<vmem>> -> memref<1x36864xf32, #tpu.memory_space<vmem>>
      tpu.enqueue_dma source(%dma_start3A_25 : memref<1x36864xf32, #tpu.memory_space<vmem>>) target(%dma_start3A_21 : memref<1x36864xf32, #tpu.memory_space<hbm>>) target_semaphore(%arg8 : memref<!tpu.dma_semaphore, #tpu.memory_space<semaphore_mem>>)
      %add3A_26 = arith.constant 8 : i32
      %add3A_27 = arith.addi %add3A_26, %add3A : i32
      %dma_start3A_28 = arith.constant 1 : i32
      %dma_start3A_29 = arith.constant 0 : i32
      %dma_start3A_30 = arith.constant 0 : i32
      %dma_start3A_31 = tpu.memref_slice %arg6[%dma_start3A_29, %dma_start3A_28, %dma_start3A_30] : memref<1x2x36864xf32, #tpu.memory_space<vmem>> -> memref<1x1x36864xf32, #tpu.memory_space<vmem>>
      %dma_start3A_32 = tpu.memref_squeeze %dma_start3A_31 : memref<1x1x36864xf32, #tpu.memory_space<vmem>> -> memref<1x36864xf32, #tpu.memory_space<vmem>>
      %dma_start3A_33 = arith.constant 0 : i32
      %dma_start3A_34 = tpu.memref_slice %arg4[%add3A_27, %dma_start3A_33] : memref<16x36864xf32, #tpu.memory_space<hbm>> -> memref<1x36864xf32, #tpu.memory_space<hbm>>
      %dma_start3A_35 = arith.constant 0 : i32
      %dma_start3A_36 = tpu.memref_slice %arg4[%add3A_27, %dma_start3A_35] : memref<16x36864xf32, #tpu.memory_space<hbm>> -> memref<1x36864xf32, #tpu.memory_space<hbm>>
      %dma_start3A_37 = arith.constant 0 : i32
      %dma_start3A_38 = arith.constant 0 : i32
      %dma_start3A_39 = tpu.memref_slice %arg6[%dma_start3A_37, %dma_start3A_28, %dma_start3A_38] : memref<1x2x36864xf32, #tpu.memory_space<vmem>> -> memref<1x1x36864xf32, #tpu.memory_space<vmem>>
      %dma_start3A_40 = tpu.memref_squeeze %dma_start3A_39 : memref<1x1x36864xf32, #tpu.memory_space<vmem>> -> memref<1x36864xf32, #tpu.memory_space<vmem>>
      tpu.enqueue_dma source(%dma_start3A_40 : memref<1x36864xf32, #tpu.memory_space<vmem>>) target(%dma_start3A_36 : memref<1x36864xf32, #tpu.memory_space<hbm>>) target_semaphore(%arg8 : memref<!tpu.dma_semaphore, #tpu.memory_space<semaphore_mem>>)
      %dma_wait3A_41 = arith.constant 0 : i32
      %dma_wait3A_42 = arith.constant 0 : i32
      %dma_wait3A_43 = arith.constant 0 : i32
      %dma_wait3A_44 = tpu.memref_slice %arg6[%dma_wait3A_42, %dma_wait3A_41, %dma_wait3A_43] : memref<1x2x36864xf32, #tpu.memory_space<vmem>> -> memref<1x1x36864xf32, #tpu.memory_space<vmem>>
      %dma_wait3A_45 = tpu.memref_squeeze %dma_wait3A_44 : memref<1x1x36864xf32, #tpu.memory_space<vmem>> -> memref<1x36864xf32, #tpu.memory_space<vmem>>
      %dma_wait3A_46 = arith.constant 0 : i32
      %dma_wait3A_47 = tpu.memref_slice %arg4[%add3A, %dma_wait3A_46] : memref<16x36864xf32, #tpu.memory_space<hbm>> -> memref<1x36864xf32, #tpu.memory_space<hbm>>
      %dma_wait3A_48 = arith.constant 0 : i32
      %dma_wait3A_49 = tpu.memref_slice %arg4[%add3A, %dma_wait3A_48] : memref<16x36864xf32, #tpu.memory_space<hbm>> -> memref<1x36864xf32, #tpu.memory_space<hbm>>
      %dma_wait3A_50 = arith.constant 0 : i32
      %dma_wait3A_51 = arith.constant 0 : i32
      %dma_wait3A_52 = tpu.memref_slice %arg6[%dma_wait3A_50, %dma_wait3A_41, %dma_wait3A_51] : memref<1x2x36864xf32, #tpu.memory_space<vmem>> -> memref<1x1x36864xf32, #tpu.memory_space<vmem>>
      %dma_wait3A_53 = tpu.memref_squeeze %dma_wait3A_52 : memref<1x1x36864xf32, #tpu.memory_space<vmem>> -> memref<1x36864xf32, #tpu.memory_space<vmem>>
      tpu.wait_dma2 semaphore(%arg8 : memref<!tpu.dma_semaphore, #tpu.memory_space<semaphore_mem>>) src(%dma_wait3A_53 : memref<1x36864xf32, #tpu.memory_space<vmem>>) dst(%dma_wait3A_49 : memref<1x36864xf32, #tpu.memory_space<hbm>>)
      %dma_wait3A_54 = arith.constant 1 : i32
      %dma_wait3A_55 = arith.constant 0 : i32
      %dma_wait3A_56 = arith.constant 0 : i32
      %dma_wait3A_57 = tpu.memref_slice %arg6[%dma_wait3A_55, %dma_wait3A_54, %dma_wait3A_56] : memref<1x2x36864xf32, #tpu.memory_space<vmem>> -> memref<1x1x36864xf32, #tpu.memory_space<vmem>>
      %dma_wait3A_58 = tpu.memref_squeeze %dma_wait3A_57 : memref<1x1x36864xf32, #tpu.memory_space<vmem>> -> memref<1x36864xf32, #tpu.memory_space<vmem>>
      %dma_wait3A_59 = arith.constant 0 : i32
      %dma_wait3A_60 = tpu.memref_slice %arg4[%add3A_27, %dma_wait3A_59] : memref<16x36864xf32, #tpu.memory_space<hbm>> -> memref<1x36864xf32, #tpu.memory_space<hbm>>
      %dma_wait3A_61 = arith.constant 0 : i32
      %dma_wait3A_62 = tpu.memref_slice %arg4[%add3A_27, %dma_wait3A_61] : memref<16x36864xf32, #tpu.memory_space<hbm>> -> memref<1x36864xf32, #tpu.memory_space<hbm>>
      %dma_wait3A_63 = arith.constant 0 : i32
      %dma_wait3A_64 = arith.constant 0 : i32
      %dma_wait3A_65 = tpu.memref_slice %arg6[%dma_wait3A_63, %dma_wait3A_54, %dma_wait3A_64] : memref<1x2x36864xf32, #tpu.memory_space<vmem>> -> memref<1x1x36864xf32, #tpu.memory_space<vmem>>
      %dma_wait3A_66 = tpu.memref_squeeze %dma_wait3A_65 : memref<1x1x36864xf32, #tpu.memory_space<vmem>> -> memref<1x36864xf32, #tpu.memory_space<vmem>>
      tpu.wait_dma2 semaphore(%arg8 : memref<!tpu.dma_semaphore, #tpu.memory_space<semaphore_mem>>) src(%dma_wait3A_66 : memref<1x36864xf32, #tpu.memory_space<vmem>>) dst(%dma_wait3A_62 : memref<1x36864xf32, #tpu.memory_space<hbm>>)
    } else {
    }
    return
  }
}

module attributes {stable_mosaic.version = 14 : i64} {
  func.func @_combine_body(%arg0: i32, %arg1: memref<8xf32, #tpu.memory_space<smem>>, %arg2: memref<8x3072xf32, #tpu.memory_space<vmem>>, %arg3: memref<8x3072xf32, #tpu.memory_space<vmem>>, %arg4: memref<1x768x768xf32, #tpu.memory_space<vmem>>) attributes {dimension_semantics = [#tpu.dimension_semantics<parallel>], iteration_bounds = array<i64: 12>, scalar_prefetch = 0 : i64, scratch_operands = 0 : i64, tpu.core_type = #tpu.core_type<tc>, window_params = [{transform_indices = @transform_0, window_bounds = array<i64: 8>}, {transform_indices = @transform_1, window_bounds = array<i64: 8, 3072>}, {transform_indices = @transform_2, window_bounds = array<i64: 8, 3072>}, {transform_indices = @transform_3, window_bounds = array<i64: 1, 768, 768>}]} {
    %get3A = arith.constant 0 : index
    %get3A_0 = arith.constant 0 : index
    %get3A_1 = vector.load %arg2[%get3A, %get3A_0] : memref<8x3072xf32, #tpu.memory_space<vmem>>, vector<8x3072xf32>
    %get3A_2 = arith.constant 0 : index
    %get3A_3 = arith.constant 0 : index
    %get3A_4 = vector.load %arg3[%get3A_2, %get3A_3] : memref<8x3072xf32, #tpu.memory_space<vmem>>, vector<8x3072xf32>
    %slice3A = vector.extract_strided_slice %get3A_1 {offsets = [0, 0], sizes = [8, 768], strides = [1, 1]} : vector<8x3072xf32> to vector<8x768xf32>
    %slice3A_5 = vector.extract_strided_slice %get3A_1 {offsets = [0, 768], sizes = [8, 768], strides = [1, 1]} : vector<8x3072xf32> to vector<8x768xf32>
    %slice3A_6 = vector.extract_strided_slice %get3A_1 {offsets = [0, 1536], sizes = [8, 768], strides = [1, 1]} : vector<8x3072xf32> to vector<8x768xf32>
    %slice3A_7 = vector.extract_strided_slice %get3A_1 {offsets = [0, 2304], sizes = [8, 768], strides = [1, 1]} : vector<8x3072xf32> to vector<8x768xf32>
    %concatenate3A = tpu.concatenate %slice3A, %slice3A_5, %slice3A_6, %slice3A_7 in 0 : vector<8x768xf32>, vector<8x768xf32>, vector<8x768xf32>, vector<8x768xf32> -> vector<32x768xf32>
    %slice3A_8 = vector.extract_strided_slice %get3A_4 {offsets = [0, 0], sizes = [8, 768], strides = [1, 1]} : vector<8x3072xf32> to vector<8x768xf32>
    %slice3A_9 = vector.extract_strided_slice %get3A_4 {offsets = [0, 768], sizes = [8, 768], strides = [1, 1]} : vector<8x3072xf32> to vector<8x768xf32>
    %slice3A_10 = vector.extract_strided_slice %get3A_4 {offsets = [0, 1536], sizes = [8, 768], strides = [1, 1]} : vector<8x3072xf32> to vector<8x768xf32>
    %slice3A_11 = vector.extract_strided_slice %get3A_4 {offsets = [0, 2304], sizes = [8, 768], strides = [1, 1]} : vector<8x3072xf32> to vector<8x768xf32>
    %concatenate3A_12 = tpu.concatenate %slice3A_8, %slice3A_9, %slice3A_10, %slice3A_11 in 0 : vector<8x768xf32>, vector<8x768xf32>, vector<8x768xf32>, vector<8x768xf32> -> vector<32x768xf32>
    %iota3A = tpu.iota {dimensions = array<i32: 0>} : vector<32x768xi32>
    %jit3A = arith.constant 8 : i32
    %eq3A = arith.constant 0 : i32
    %eq3A_13 = arith.cmpi eq, %jit3A, %eq3A : i32
    %jit3A_14 = arith.constant 1 : i32
    %select_n3A = arith.select %eq3A_13, %jit3A_14, %jit3A : i32
    %rem3A = vector.broadcast %select_n3A : i32 to vector<32x768xi32>
    %rem3A_15 = arith.remsi %iota3A, %rem3A : vector<32x768xi32>
    %ne3A = arith.constant 0 : i32
    %ne3A_16 = vector.broadcast %ne3A : i32 to vector<32x768xi32>
    %ne3A_17 = arith.cmpi ne, %rem3A_15, %ne3A_16 : vector<32x768xi32>
    %lt3A = arith.constant 0 : i32
    %lt3A_18 = vector.broadcast %lt3A : i32 to vector<32x768xi32>
    %lt3A_19 = arith.cmpi slt, %rem3A_15, %lt3A_18 : vector<32x768xi32>
    %lt3A_20 = arith.constant 0 : i32
    %lt3A_21 = arith.cmpi slt, %select_n3A, %lt3A_20 : i32
    %ne3A_22 = vector.broadcast %lt3A_21 : i1 to vector<32x768xi1>
    %ne3A_23 = vector.broadcast %ne3A_22 : vector<32x768xi1> to vector<32x768xi1>
    %ne3A_24 = arith.xori %lt3A_19, %ne3A_23 : vector<32x768xi1>
    %and3A = arith.andi %ne3A_24, %ne3A_17 : vector<32x768xi1>
    %add3A = vector.broadcast %select_n3A : i32 to vector<32x768xi32>
    %add3A_25 = arith.addi %rem3A_15, %add3A : vector<32x768xi32>
    %select_n3A_26 = arith.select %and3A, %add3A_25, %rem3A_15 : vector<32x768xi1>, vector<32x768xi32>
    %broadcast_in_dim3A = arith.constant 0.000000e+00 : f32
    %broadcast_in_dim3A_27 = vector.broadcast %broadcast_in_dim3A : f32 to vector<32x768xf32>
    %eq3A_28 = arith.constant 0 : i32
    %eq3A_29 = vector.broadcast %eq3A_28 : i32 to vector<32x768xi32>
    %eq3A_30 = arith.cmpi eq, %select_n3A_26, %eq3A_29 : vector<32x768xi32>
    %get3A_31 = arith.constant 0 : index
    %get3A_32 = memref.load %arg1[%get3A_31] : memref<8xf32, #tpu.memory_space<smem>>
    %broadcast_in_dim3A_33 = vector.broadcast %get3A_32 : f32 to vector<32x768xf32>
    %select_n3A_34 = arith.select %eq3A_30, %broadcast_in_dim3A_33, %broadcast_in_dim3A_27 : vector<32x768xi1>, vector<32x768xf32>
    %eq3A_35 = arith.constant 1 : i32
    %eq3A_36 = vector.broadcast %eq3A_35 : i32 to vector<32x768xi32>
    %eq3A_37 = arith.cmpi eq, %select_n3A_26, %eq3A_36 : vector<32x768xi32>
    %get3A_38 = arith.constant 1 : index
    %get3A_39 = memref.load %arg1[%get3A_38] : memref<8xf32, #tpu.memory_space<smem>>
    %broadcast_in_dim3A_40 = vector.broadcast %get3A_39 : f32 to vector<32x768xf32>
    %select_n3A_41 = arith.select %eq3A_37, %broadcast_in_dim3A_40, %select_n3A_34 : vector<32x768xi1>, vector<32x768xf32>
    %eq3A_42 = arith.constant 2 : i32
    %eq3A_43 = vector.broadcast %eq3A_42 : i32 to vector<32x768xi32>
    %eq3A_44 = arith.cmpi eq, %select_n3A_26, %eq3A_43 : vector<32x768xi32>
    %get3A_45 = arith.constant 2 : index
    %get3A_46 = memref.load %arg1[%get3A_45] : memref<8xf32, #tpu.memory_space<smem>>
    %broadcast_in_dim3A_47 = vector.broadcast %get3A_46 : f32 to vector<32x768xf32>
    %select_n3A_48 = arith.select %eq3A_44, %broadcast_in_dim3A_47, %select_n3A_41 : vector<32x768xi1>, vector<32x768xf32>
    %eq3A_49 = arith.constant 3 : i32
    %eq3A_50 = vector.broadcast %eq3A_49 : i32 to vector<32x768xi32>
    %eq3A_51 = arith.cmpi eq, %select_n3A_26, %eq3A_50 : vector<32x768xi32>
    %get3A_52 = arith.constant 3 : index
    %get3A_53 = memref.load %arg1[%get3A_52] : memref<8xf32, #tpu.memory_space<smem>>
    %broadcast_in_dim3A_54 = vector.broadcast %get3A_53 : f32 to vector<32x768xf32>
    %select_n3A_55 = arith.select %eq3A_51, %broadcast_in_dim3A_54, %select_n3A_48 : vector<32x768xi1>, vector<32x768xf32>
    %eq3A_56 = arith.constant 4 : i32
    %eq3A_57 = vector.broadcast %eq3A_56 : i32 to vector<32x768xi32>
    %eq3A_58 = arith.cmpi eq, %select_n3A_26, %eq3A_57 : vector<32x768xi32>
    %get3A_59 = arith.constant 4 : index
    %get3A_60 = memref.load %arg1[%get3A_59] : memref<8xf32, #tpu.memory_space<smem>>
    %broadcast_in_dim3A_61 = vector.broadcast %get3A_60 : f32 to vector<32x768xf32>
    %select_n3A_62 = arith.select %eq3A_58, %broadcast_in_dim3A_61, %select_n3A_55 : vector<32x768xi1>, vector<32x768xf32>
    %eq3A_63 = arith.constant 5 : i32
    %eq3A_64 = vector.broadcast %eq3A_63 : i32 to vector<32x768xi32>
    %eq3A_65 = arith.cmpi eq, %select_n3A_26, %eq3A_64 : vector<32x768xi32>
    %get3A_66 = arith.constant 5 : index
    %get3A_67 = memref.load %arg1[%get3A_66] : memref<8xf32, #tpu.memory_space<smem>>
    %broadcast_in_dim3A_68 = vector.broadcast %get3A_67 : f32 to vector<32x768xf32>
    %select_n3A_69 = arith.select %eq3A_65, %broadcast_in_dim3A_68, %select_n3A_62 : vector<32x768xi1>, vector<32x768xf32>
    %eq3A_70 = arith.constant 6 : i32
    %eq3A_71 = vector.broadcast %eq3A_70 : i32 to vector<32x768xi32>
    %eq3A_72 = arith.cmpi eq, %select_n3A_26, %eq3A_71 : vector<32x768xi32>
    %get3A_73 = arith.constant 6 : index
    %get3A_74 = memref.load %arg1[%get3A_73] : memref<8xf32, #tpu.memory_space<smem>>
    %broadcast_in_dim3A_75 = vector.broadcast %get3A_74 : f32 to vector<32x768xf32>
    %select_n3A_76 = arith.select %eq3A_72, %broadcast_in_dim3A_75, %select_n3A_69 : vector<32x768xi1>, vector<32x768xf32>
    %eq3A_77 = arith.constant 7 : i32
    %eq3A_78 = vector.broadcast %eq3A_77 : i32 to vector<32x768xi32>
    %eq3A_79 = arith.cmpi eq, %select_n3A_26, %eq3A_78 : vector<32x768xi32>
    %get3A_80 = arith.constant 7 : index
    %get3A_81 = memref.load %arg1[%get3A_80] : memref<8xf32, #tpu.memory_space<smem>>
    %broadcast_in_dim3A_82 = vector.broadcast %get3A_81 : f32 to vector<32x768xf32>
    %select_n3A_83 = arith.select %eq3A_79, %broadcast_in_dim3A_82, %select_n3A_76 : vector<32x768xi1>, vector<32x768xf32>
    %mul3A = arith.mulf %concatenate3A, %select_n3A_83 : vector<32x768xf32>
    %dot_general3A = arith.constant dense<0.000000e+00> : vector<768x768xf32>
    %dot_general3A_84 = tpu.matmul %mul3A, %concatenate3A_12, %dot_general3A {dimension_numbers = #tpu.dot_dimension_numbers<[0], [0], [1], [1], [0, 1, 1, 1], [], []>, transpose_lhs_hint = false} : vector<32x768xf32>, vector<32x768xf32>, vector<768x768xf32> -> vector<768x768xf32>
    %swap3A = arith.constant 0 : index
    %swap3A_85 = arith.constant 0 : index
    %swap3A_86 = arith.constant 0 : index
    %swap3A_87 = vector.load %arg4[%swap3A, %swap3A_85, %swap3A_86] : memref<1x768x768xf32, #tpu.memory_space<vmem>>, vector<1x768x768xf32>
    %swap3A_88 = vector.shape_cast %swap3A_87 : vector<1x768x768xf32> to vector<768x768xf32>
    %swap3A_89 = vector.shape_cast %dot_general3A_84 : vector<768x768xf32> to vector<1x768x768xf32>
    tpu.vector_store %arg4[%swap3A, %swap3A_85, %swap3A_86], %swap3A_89 {strides = array<i32>} : memref<1x768x768xf32, #tpu.memory_space<vmem>>, vector<1x768x768xf32>,
    return
  }
  func.func @transform_0(%arg0: i32) -> i32 {
    %c0_i32 = arith.constant 0 : i32
    %c0_i32_0 = arith.constant 0 : i32
    return %c0_i32 : i32
  }
  func.func @transform_1(%arg0: i32) -> (i32, i32) {
    %c0_i32 = arith.constant 0 : i32
    %c0_i32_0 = arith.constant 0 : i32
    return %c0_i32, %arg0 : i32, i32
  }
  func.func @transform_2(%arg0: i32) -> (i32, i32) {
    %c1_i32 = arith.constant 1 : i32
    %c0_i32 = arith.constant 0 : i32
    return %c1_i32, %arg0 : i32, i32
  }
  func.func @transform_3(%arg0: i32) -> (i32, i32, i32) {
    %c0_i32 = arith.constant 0 : i32
    %c0_i32_0 = arith.constant 0 : i32
    %c0_i32_1 = arith.constant 0 : i32
    return %arg0, %c0_i32, %c0_i32_0 : i32, i32, i32
  }
}

module attributes {stable_mosaic.version = 14 : i64} {
  func.func @_sim_topk_body(%arg0: memref<1024x768xf32, #tpu.memory_space<vmem>>, %arg1: memref<1x8x256x96xf32, #tpu.memory_space<vmem>>, %arg2: memref<8xf32, #tpu.memory_space<smem>>, %arg3: memref<64xi32, #tpu.memory_space<smem>>) attributes {dimension_semantics = [], scalar_prefetch = 0 : i64, scratch_operands = 0 : i64, tpu.core_type = #tpu.core_type<tc>} {
    %get3A = arith.constant 0 : index
    %get3A_0 = arith.constant 0 : index
    %get3A_1 = vector.load %arg0[%get3A, %get3A_0] : memref<1024x768xf32, #tpu.memory_space<vmem>>, vector<1024x768xf32>
    %iota3A = tpu.iota {dimensions = array<i32: 0>} : vector<768x8xi32>
    %iota3A_2 = tpu.iota {dimensions = array<i32: 1>} : vector<768x8xi32>
    %jit3A = arith.constant 96 : i32
    %div3A = vector.broadcast %jit3A : i32 to vector<768x8xi32>
    %div3A_3 = arith.divsi %iota3A, %div3A : vector<768x8xi32>
    %sign3A = arith.constant 0 : i32
    %sign3A_4 = vector.broadcast %sign3A : i32 to vector<768x8xi32>
    %sign3A_5 = arith.cmpi sgt, %iota3A, %sign3A_4 : vector<768x8xi32>
    %sign3A_6 = arith.extui %sign3A_5 : vector<768x8xi1> to vector<768x8xi32>
    %sign3A_7 = arith.constant 0 : i32
    %sign3A_8 = vector.broadcast %sign3A_7 : i32 to vector<768x8xi32>
    %sign3A_9 = arith.cmpi slt, %iota3A, %sign3A_8 : vector<768x8xi32>
    %sign3A_10 = arith.extui %sign3A_9 : vector<768x8xi1> to vector<768x8xi32>
    %sign3A_11 = arith.subi %sign3A_6, %sign3A_10 : vector<768x8xi32>
    %sign3A_12 = arith.constant 0 : i32
    %sign3A_13 = arith.cmpi sgt, %jit3A, %sign3A_12 : i32
    %sign3A_14 = arith.extui %sign3A_13 : i1 to i32
    %sign3A_15 = arith.constant 0 : i32
    %sign3A_16 = arith.cmpi slt, %jit3A, %sign3A_15 : i32
    %sign3A_17 = arith.extui %sign3A_16 : i1 to i32
    %sign3A_18 = arith.subi %sign3A_14, %sign3A_17 : i32
    %ne3A = vector.broadcast %sign3A_18 : i32 to vector<768x8xi32>
    %ne3A_19 = arith.cmpi ne, %sign3A_11, %ne3A : vector<768x8xi32>
    %rem3A = vector.broadcast %jit3A : i32 to vector<768x8xi32>
    %rem3A_20 = arith.remsi %iota3A, %rem3A : vector<768x8xi32>
    %ne3A_21 = arith.constant 0 : i32
    %ne3A_22 = vector.broadcast %ne3A_21 : i32 to vector<768x8xi32>
    %ne3A_23 = arith.cmpi ne, %rem3A_20, %ne3A_22 : vector<768x8xi32>
    %and3A = arith.andi %ne3A_19, %ne3A_23 : vector<768x8xi1>
    %sub3A = arith.constant 1 : i32
    %sub3A_24 = vector.broadcast %sub3A : i32 to vector<768x8xi32>
    %sub3A_25 = arith.subi %div3A_3, %sub3A_24 : vector<768x8xi32>
    %select_n3A = arith.select %and3A, %sub3A_25, %div3A_3 : vector<768x8xi1>, vector<768x8xi32>
    %eq3A = arith.cmpi eq, %select_n3A, %iota3A_2 : vector<768x8xi32>
    %convert_element_type3A = arith.extui %eq3A : vector<768x8xi1> to vector<768x8xi32>
    %convert_element_type3A_26 = arith.sitofp %convert_element_type3A : vector<768x8xi32> to vector<768x8xf32>
    %mul3A = arith.mulf %get3A_1, %get3A_1 : vector<1024x768xf32>
    %dot_general3A = arith.constant dense<0.000000e+00> : vector<1024x8xf32>
    %dot_general3A_27 = tpu.matmul %mul3A, %convert_element_type3A_26, %dot_general3A {dimension_numbers = #tpu.dot_dimension_numbers<[1], [0], [0], [1], [0, 0, 1, 1], [], []>, transpose_lhs_hint = false} : vector<1024x768xf32>, vector<768x8xf32>, vector<1024x8xf32> -> vector<1024x8xf32>
    %max3A = arith.constant 1.000000e-16 : f32
    %max3A_28 = vector.broadcast %max3A : f32 to vector<1024x8xf32>
    %max3A_29 = arith.maximumf %dot_general3A_27, %max3A_28 : vector<1024x8xf32>
    %rsqrt3A = math.rsqrt %max3A_29 : vector<1024x8xf32>
    %dot_general3A_30 = arith.constant dense<0.000000e+00> : vector<1024x768xf32>
    %dot_general3A_31 = tpu.matmul %rsqrt3A, %convert_element_type3A_26, %dot_general3A_30 {dimension_numbers = #tpu.dot_dimension_numbers<[1], [1], [0], [0], [0, 0, 1, 0], [], []>, transpose_lhs_hint = false} : vector<1024x8xf32>, vector<768x8xf32>, vector<1024x768xf32> -> vector<1024x768xf32>
    %mul3A_32 = arith.mulf %get3A_1, %dot_general3A_31 : vector<1024x768xf32>
    %reduce_sum3A = arith.constant dense<0.000000e+00> : vector<768xf32>
    %reduce_sum3A_33 = vector.multi_reduction <add>, %mul3A_32, %reduce_sum3A [0] : vector<1024x768xf32> to vector<768xf32>
    %broadcast_in_dim3A = vector.shape_cast %reduce_sum3A_33 : vector<768xf32> to vector<1x768xf32>
    %get3A_34 = arith.constant 0 : index
    %get3A_35 = arith.constant 0 : index
    %get3A_36 = arith.constant 0 : index
    %get3A_37 = arith.constant 0 : index
    %get3A_38 = vector.load %arg1[%get3A_34, %get3A_35, %get3A_36, %get3A_37] : memref<1x8x256x96xf32, #tpu.memory_space<vmem>>, vector<1x8x256x96xf32>
    %get3A_39 = vector.shape_cast %get3A_38 : vector<1x8x256x96xf32> to vector<8x256x96xf32>
    %mul3A_40 = arith.mulf %get3A_39, %get3A_39 : vector<8x256x96xf32>
    %reduce_sum3A_41 = arith.constant dense<0.000000e+00> : vector<8x256xf32>
    %reduce_sum3A_42 = vector.multi_reduction <add>, %mul3A_40, %reduce_sum3A_41 [2] : vector<8x256x96xf32> to vector<8x256xf32>
    %broadcast_in_dim3A_43 = vector.shape_cast %reduce_sum3A_42 : vector<8x256xf32> to vector<8x256x1xf32>
    %max3A_44 = arith.constant 1.000000e-16 : f32
    %max3A_45 = vector.broadcast %max3A_44 : f32 to vector<8x256x1xf32>
    %max3A_46 = arith.maximumf %broadcast_in_dim3A_43, %max3A_45 : vector<8x256x1xf32>
    %rsqrt3A_47 = math.rsqrt %max3A_46 : vector<8x256x1xf32>
    %mul3A_48 = vector.broadcast %rsqrt3A_47 : vector<8x256x1xf32> to vector<8x256x96xf32>
    %mul3A_49 = arith.mulf %get3A_39, %mul3A_48 : vector<8x256x96xf32>
    %broadcast_in_dim3A_50 = arith.constant 0.000000e+00 : f32
    %broadcast_in_dim3A_51 = vector.broadcast %broadcast_in_dim3A_50 : f32 to vector<1x256xf32>
    %slice3A = vector.extract_strided_slice %broadcast_in_dim3A {offsets = [0, 0], sizes = [1, 96], strides = [1, 1]} : vector<1x768xf32> to vector<1x96xf32>
    %slice3A_52 = vector.extract_strided_slice %mul3A_49 {offsets = [0, 0, 0], sizes = [1, 256, 96], strides = [1, 1, 1]} : vector<8x256x96xf32> to vector<1x256x96xf32>
    %squeeze3A = vector.shape_cast %slice3A_52 : vector<1x256x96xf32> to vector<256x96xf32>
    %dot_general3A_53 = arith.constant dense<0.000000e+00> : vector<1x256xf32>
    %dot_general3A_54 = tpu.matmul %slice3A, %squeeze3A, %dot_general3A_53 {dimension_numbers = #tpu.dot_dimension_numbers<[1], [1], [0], [0], [0, 0, 1, 0], [], []>, precision = #tpu.contract_precision<fp32>, transpose_lhs_hint = false} : vector<1x96xf32>, vector<256x96xf32>, vector<1x256xf32> -> vector<1x256xf32>
    %add3A = arith.addf %broadcast_in_dim3A_51, %dot_general3A_54 : vector<1x256xf32>
    %slice3A_55 = vector.extract_strided_slice %broadcast_in_dim3A {offsets = [0, 96], sizes = [1, 96], strides = [1, 1]} : vector<1x768xf32> to vector<1x96xf32>
    %slice3A_56 = vector.extract_strided_slice %mul3A_49 {offsets = [1, 0, 0], sizes = [1, 256, 96], strides = [1, 1, 1]} : vector<8x256x96xf32> to vector<1x256x96xf32>
    %squeeze3A_57 = vector.shape_cast %slice3A_56 : vector<1x256x96xf32> to vector<256x96xf32>
    %dot_general3A_58 = arith.constant dense<0.000000e+00> : vector<1x256xf32>
    %dot_general3A_59 = tpu.matmul %slice3A_55, %squeeze3A_57, %dot_general3A_58 {dimension_numbers = #tpu.dot_dimension_numbers<[1], [1], [0], [0], [0, 0, 1, 0], [], []>, precision = #tpu.contract_precision<fp32>, transpose_lhs_hint = false} : vector<1x96xf32>, vector<256x96xf32>, vector<1x256xf32> -> vector<1x256xf32>
    %add3A_60 = arith.addf %add3A, %dot_general3A_59 : vector<1x256xf32>
    %slice3A_61 = vector.extract_strided_slice %broadcast_in_dim3A {offsets = [0, 192], sizes = [1, 96], strides = [1, 1]} : vector<1x768xf32> to vector<1x96xf32>
    %slice3A_62 = vector.extract_strided_slice %mul3A_49 {offsets = [2, 0, 0], sizes = [1, 256, 96], strides = [1, 1, 1]} : vector<8x256x96xf32> to vector<1x256x96xf32>
    %squeeze3A_63 = vector.shape_cast %slice3A_62 : vector<1x256x96xf32> to vector<256x96xf32>
    %dot_general3A_64 = arith.constant dense<0.000000e+00> : vector<1x256xf32>
    %dot_general3A_65 = tpu.matmul %slice3A_61, %squeeze3A_63, %dot_general3A_64 {dimension_numbers = #tpu.dot_dimension_numbers<[1], [1], [0], [0], [0, 0, 1, 0], [], []>, precision = #tpu.contract_precision<fp32>, transpose_lhs_hint = false} : vector<1x96xf32>, vector<256x96xf32>, vector<1x256xf32> -> vector<1x256xf32>
    %add3A_66 = arith.addf %add3A_60, %dot_general3A_65 : vector<1x256xf32>
    %slice3A_67 = vector.extract_strided_slice %broadcast_in_dim3A {offsets = [0, 288], sizes = [1, 96], strides = [1, 1]} : vector<1x768xf32> to vector<1x96xf32>
    %slice3A_68 = vector.extract_strided_slice %mul3A_49 {offsets = [3, 0, 0], sizes = [1, 256, 96], strides = [1, 1, 1]} : vector<8x256x96xf32> to vector<1x256x96xf32>
    %squeeze3A_69 = vector.shape_cast %slice3A_68 : vector<1x256x96xf32> to vector<256x96xf32>
    %dot_general3A_70 = arith.constant dense<0.000000e+00> : vector<1x256xf32>
    %dot_general3A_71 = tpu.matmul %slice3A_67, %squeeze3A_69, %dot_general3A_70 {dimension_numbers = #tpu.dot_dimension_numbers<[1], [1], [0], [0], [0, 0, 1, 0], [], []>, precision = #tpu.contract_precision<fp32>, transpose_lhs_hint = false} : vector<1x96xf32>, vector<256x96xf32>, vector<1x256xf32> -> vector<1x256xf32>
    %add3A_72 = arith.addf %add3A_66, %dot_general3A_71 : vector<1x256xf32>
    %slice3A_73 = vector.extract_strided_slice %broadcast_in_dim3A {offsets = [0, 384], sizes = [1, 96], strides = [1, 1]} : vector<1x768xf32> to vector<1x96xf32>
    %slice3A_74 = vector.extract_strided_slice %mul3A_49 {offsets = [4, 0, 0], sizes = [1, 256, 96], strides = [1, 1, 1]} : vector<8x256x96xf32> to vector<1x256x96xf32>
    %squeeze3A_75 = vector.shape_cast %slice3A_74 : vector<1x256x96xf32> to vector<256x96xf32>
    %dot_general3A_76 = arith.constant dense<0.000000e+00> : vector<1x256xf32>
    %dot_general3A_77 = tpu.matmul %slice3A_73, %squeeze3A_75, %dot_general3A_76 {dimension_numbers = #tpu.dot_dimension_numbers<[1], [1], [0], [0], [0, 0, 1, 0], [], []>, precision = #tpu.contract_precision<fp32>, transpose_lhs_hint = false} : vector<1x96xf32>, vector<256x96xf32>, vector<1x256xf32> -> vector<1x256xf32>
    %add3A_78 = arith.addf %add3A_72, %dot_general3A_77 : vector<1x256xf32>
    %slice3A_79 = vector.extract_strided_slice %broadcast_in_dim3A {offsets = [0, 480], sizes = [1, 96], strides = [1, 1]} : vector<1x768xf32> to vector<1x96xf32>
    %slice3A_80 = vector.extract_strided_slice %mul3A_49 {offsets = [5, 0, 0], sizes = [1, 256, 96], strides = [1, 1, 1]} : vector<8x256x96xf32> to vector<1x256x96xf32>
    %squeeze3A_81 = vector.shape_cast %slice3A_80 : vector<1x256x96xf32> to vector<256x96xf32>
    %dot_general3A_82 = arith.constant dense<0.000000e+00> : vector<1x256xf32>
    %dot_general3A_83 = tpu.matmul %slice3A_79, %squeeze3A_81, %dot_general3A_82 {dimension_numbers = #tpu.dot_dimension_numbers<[1], [1], [0], [0], [0, 0, 1, 0], [], []>, precision = #tpu.contract_precision<fp32>, transpose_lhs_hint = false} : vector<1x96xf32>, vector<256x96xf32>, vector<1x256xf32> -> vector<1x256xf32>
    %add3A_84 = arith.addf %add3A_78, %dot_general3A_83 : vector<1x256xf32>
    %slice3A_85 = vector.extract_strided_slice %broadcast_in_dim3A {offsets = [0, 576], sizes = [1, 96], strides = [1, 1]} : vector<1x768xf32> to vector<1x96xf32>
    %slice3A_86 = vector.extract_strided_slice %mul3A_49 {offsets = [6, 0, 0], sizes = [1, 256, 96], strides = [1, 1, 1]} : vector<8x256x96xf32> to vector<1x256x96xf32>
    %squeeze3A_87 = vector.shape_cast %slice3A_86 : vector<1x256x96xf32> to vector<256x96xf32>
    %dot_general3A_88 = arith.constant dense<0.000000e+00> : vector<1x256xf32>
    %dot_general3A_89 = tpu.matmul %slice3A_85, %squeeze3A_87, %dot_general3A_88 {dimension_numbers = #tpu.dot_dimension_numbers<[1], [1], [0], [0], [0, 0, 1, 0], [], []>, precision = #tpu.contract_precision<fp32>, transpose_lhs_hint = false} : vector<1x96xf32>, vector<256x96xf32>, vector<1x256xf32> -> vector<1x256xf32>
    %add3A_90 = arith.addf %add3A_84, %dot_general3A_89 : vector<1x256xf32>
    %slice3A_91 = vector.extract_strided_slice %broadcast_in_dim3A {offsets = [0, 672], sizes = [1, 96], strides = [1, 1]} : vector<1x768xf32> to vector<1x96xf32>
    %slice3A_92 = vector.extract_strided_slice %mul3A_49 {offsets = [7, 0, 0], sizes = [1, 256, 96], strides = [1, 1, 1]} : vector<8x256x96xf32> to vector<1x256x96xf32>
    %squeeze3A_93 = vector.shape_cast %slice3A_92 : vector<1x256x96xf32> to vector<256x96xf32>
    %dot_general3A_94 = arith.constant dense<0.000000e+00> : vector<1x256xf32>
    %dot_general3A_95 = tpu.matmul %slice3A_91, %squeeze3A_93, %dot_general3A_94 {dimension_numbers = #tpu.dot_dimension_numbers<[1], [1], [0], [0], [0, 0, 1, 0], [], []>, precision = #tpu.contract_precision<fp32>, transpose_lhs_hint = false} : vector<1x96xf32>, vector<256x96xf32>, vector<1x256xf32> -> vector<1x256xf32>
    %add3A_96 = arith.addf %add3A_90, %dot_general3A_95 : vector<1x256xf32>
    %div3A_97 = arith.constant 8.192000e+03 : f32
    %div3A_98 = vector.broadcast %div3A_97 : f32 to vector<1x256xf32>
    %div3A_99 = arith.divf %add3A_96, %div3A_98 : vector<1x256xf32>
    %iota3A_100 = tpu.iota {dimensions = array<i32: 1>} : vector<1x256xi32>
    %reduce_max3A = vector.shape_cast %div3A_99 : vector<1x256xf32> to vector<1x1x256xf32>
    %reduce_max3A_101 = arith.constant dense<0xFF800000> : vector<1xf32>
    %reduce_max3A_102 = vector.multi_reduction <maximumf>, %reduce_max3A, %reduce_max3A_101 [1, 2] : vector<1x1x256xf32> to vector<1xf32>
    %reduce_max3A_103 = vector.shape_cast %reduce_max3A_102 : vector<1xf32> to vector<1x1x1xf32>
    %reduce_max3A_104 = vector.extract %reduce_max3A_103[0, 0, 0] : f32 from vector<1x1x1xf32>
    %eq3A_105 = vector.broadcast %reduce_max3A_104 : f32 to vector<1x256xf32>
    %eq3A_106 = arith.cmpf oeq, %div3A_99, %eq3A_105 : vector<1x256xf32>
    %jit3A_107 = arith.constant 256 : i32
    %broadcast_in_dim3A_108 = vector.broadcast %jit3A_107 : i32 to vector<1x256xi32>
    %select_n3A_109 = arith.select %eq3A_106, %iota3A_100, %broadcast_in_dim3A_108 : vector<1x256xi1>, vector<1x256xi32>
    %reduce_min3A = vector.shape_cast %select_n3A_109 : vector<1x256xi32> to vector<1x1x256xi32>
    %reduce_min3A_110 = arith.constant dense<2147483647> : vector<1xi32>
    %reduce_min3A_111 = vector.multi_reduction <minsi>, %reduce_min3A, %reduce_min3A_110 [1, 2] : vector<1x1x256xi32> to vector<1xi32>
    %reduce_min3A_112 = vector.shape_cast %reduce_min3A_111 : vector<1xi32> to vector<1x1x1xi32>
    %reduce_min3A_113 = vector.extract %reduce_min3A_112[0, 0, 0] : i32 from vector<1x1x1xi32>
    %eq3A_114 = vector.broadcast %reduce_min3A_113 : i32 to vector<1x256xi32>
    %eq3A_115 = arith.cmpi eq, %iota3A_100, %eq3A_114 : vector<1x256xi32>
    %jit3A_116 = arith.constant 0xFF800000 : f32
    %broadcast_in_dim3A_117 = vector.broadcast %jit3A_116 : f32 to vector<1x256xf32>
    %select_n3A_118 = arith.select %eq3A_115, %broadcast_in_dim3A_117, %div3A_99 : vector<1x256xi1>, vector<1x256xf32>
    %reduce_max3A_119 = vector.shape_cast %select_n3A_118 : vector<1x256xf32> to vector<1x1x256xf32>
    %reduce_max3A_120 = arith.constant dense<0xFF800000> : vector<1xf32>
    %reduce_max3A_121 = vector.multi_reduction <maximumf>, %reduce_max3A_119, %reduce_max3A_120 [1, 2] : vector<1x1x256xf32> to vector<1xf32>
    %reduce_max3A_122 = vector.shape_cast %reduce_max3A_121 : vector<1xf32> to vector<1x1x1xf32>
    %reduce_max3A_123 = vector.extract %reduce_max3A_122[0, 0, 0] : f32 from vector<1x1x1xf32>
    %eq3A_124 = vector.broadcast %reduce_max3A_123 : f32 to vector<1x256xf32>
    %eq3A_125 = arith.cmpf oeq, %select_n3A_118, %eq3A_124 : vector<1x256xf32>
    %jit3A_126 = arith.constant 256 : i32
    %broadcast_in_dim3A_127 = vector.broadcast %jit3A_126 : i32 to vector<1x256xi32>
    %select_n3A_128 = arith.select %eq3A_125, %iota3A_100, %broadcast_in_dim3A_127 : vector<1x256xi1>, vector<1x256xi32>
    %reduce_min3A_129 = vector.shape_cast %select_n3A_128 : vector<1x256xi32> to vector<1x1x256xi32>
    %reduce_min3A_130 = arith.constant dense<2147483647> : vector<1xi32>
    %reduce_min3A_131 = vector.multi_reduction <minsi>, %reduce_min3A_129, %reduce_min3A_130 [1, 2] : vector<1x1x256xi32> to vector<1xi32>
    %reduce_min3A_132 = vector.shape_cast %reduce_min3A_131 : vector<1xi32> to vector<1x1x1xi32>
    %reduce_min3A_133 = vector.extract %reduce_min3A_132[0, 0, 0] : i32 from vector<1x1x1xi32>
    %eq3A_134 = vector.broadcast %reduce_min3A_133 : i32 to vector<1x256xi32>
    %eq3A_135 = arith.cmpi eq, %iota3A_100, %eq3A_134 : vector<1x256xi32>
    %jit3A_136 = arith.constant 0xFF800000 : f32
    %broadcast_in_dim3A_137 = vector.broadcast %jit3A_136 : f32 to vector<1x256xf32>
    %select_n3A_138 = arith.select %eq3A_135, %broadcast_in_dim3A_137, %select_n3A_118 : vector<1x256xi1>, vector<1x256xf32>
    %reduce_max3A_139 = vector.shape_cast %select_n3A_138 : vector<1x256xf32> to vector<1x1x256xf32>
    %reduce_max3A_140 = arith.constant dense<0xFF800000> : vector<1xf32>
    %reduce_max3A_141 = vector.multi_reduction <maximumf>, %reduce_max3A_139, %reduce_max3A_140 [1, 2] : vector<1x1x256xf32> to vector<1xf32>
    %reduce_max3A_142 = vector.shape_cast %reduce_max3A_141 : vector<1xf32> to vector<1x1x1xf32>
    %reduce_max3A_143 = vector.extract %reduce_max3A_142[0, 0, 0] : f32 from vector<1x1x1xf32>
    %eq3A_144 = vector.broadcast %reduce_max3A_143 : f32 to vector<1x256xf32>
    %eq3A_145 = arith.cmpf oeq, %select_n3A_138, %eq3A_144 : vector<1x256xf32>
    %jit3A_146 = arith.constant 256 : i32
    %broadcast_in_dim3A_147 = vector.broadcast %jit3A_146 : i32 to vector<1x256xi32>
    %select_n3A_148 = arith.select %eq3A_145, %iota3A_100, %broadcast_in_dim3A_147 : vector<1x256xi1>, vector<1x256xi32>
    %reduce_min3A_149 = vector.shape_cast %select_n3A_148 : vector<1x256xi32> to vector<1x1x256xi32>
    %reduce_min3A_150 = arith.constant dense<2147483647> : vector<1xi32>
    %reduce_min3A_151 = vector.multi_reduction <minsi>, %reduce_min3A_149, %reduce_min3A_150 [1, 2] : vector<1x1x256xi32> to vector<1xi32>
    %reduce_min3A_152 = vector.shape_cast %reduce_min3A_151 : vector<1xi32> to vector<1x1x1xi32>
    %reduce_min3A_153 = vector.extract %reduce_min3A_152[0, 0, 0] : i32 from vector<1x1x1xi32>
    %eq3A_154 = vector.broadcast %reduce_min3A_153 : i32 to vector<1x256xi32>
    %eq3A_155 = arith.cmpi eq, %iota3A_100, %eq3A_154 : vector<1x256xi32>
    %jit3A_156 = arith.constant 0xFF800000 : f32
    %broadcast_in_dim3A_157 = vector.broadcast %jit3A_156 : f32 to vector<1x256xf32>
    %select_n3A_158 = arith.select %eq3A_155, %broadcast_in_dim3A_157, %select_n3A_138 : vector<1x256xi1>, vector<1x256xf32>
    %reduce_max3A_159 = vector.shape_cast %select_n3A_158 : vector<1x256xf32> to vector<1x1x256xf32>
    %reduce_max3A_160 = arith.constant dense<0xFF800000> : vector<1xf32>
    %reduce_max3A_161 = vector.multi_reduction <maximumf>, %reduce_max3A_159, %reduce_max3A_160 [1, 2] : vector<1x1x256xf32> to vector<1xf32>
    %reduce_max3A_162 = vector.shape_cast %reduce_max3A_161 : vector<1xf32> to vector<1x1x1xf32>
    %reduce_max3A_163 = vector.extract %reduce_max3A_162[0, 0, 0] : f32 from vector<1x1x1xf32>
    %eq3A_164 = vector.broadcast %reduce_max3A_163 : f32 to vector<1x256xf32>
    %eq3A_165 = arith.cmpf oeq, %select_n3A_158, %eq3A_164 : vector<1x256xf32>
    %jit3A_166 = arith.constant 256 : i32
    %broadcast_in_dim3A_167 = vector.broadcast %jit3A_166 : i32 to vector<1x256xi32>
    %select_n3A_168 = arith.select %eq3A_165, %iota3A_100, %broadcast_in_dim3A_167 : vector<1x256xi1>, vector<1x256xi32>
    %reduce_min3A_169 = vector.shape_cast %select_n3A_168 : vector<1x256xi32> to vector<1x1x256xi32>
    %reduce_min3A_170 = arith.constant dense<2147483647> : vector<1xi32>
    %reduce_min3A_171 = vector.multi_reduction <minsi>, %reduce_min3A_169, %reduce_min3A_170 [1, 2] : vector<1x1x256xi32> to vector<1xi32>
    %reduce_min3A_172 = vector.shape_cast %reduce_min3A_171 : vector<1xi32> to vector<1x1x1xi32>
    %reduce_min3A_173 = vector.extract %reduce_min3A_172[0, 0, 0] : i32 from vector<1x1x1xi32>
    %eq3A_174 = vector.broadcast %reduce_min3A_173 : i32 to vector<1x256xi32>
    %eq3A_175 = arith.cmpi eq, %iota3A_100, %eq3A_174 : vector<1x256xi32>
    %jit3A_176 = arith.constant 0xFF800000 : f32
    %broadcast_in_dim3A_177 = vector.broadcast %jit3A_176 : f32 to vector<1x256xf32>
    %select_n3A_178 = arith.select %eq3A_175, %broadcast_in_dim3A_177, %select_n3A_158 : vector<1x256xi1>, vector<1x256xf32>
    %reduce_max3A_179 = vector.shape_cast %select_n3A_178 : vector<1x256xf32> to vector<1x1x256xf32>
    %reduce_max3A_180 = arith.constant dense<0xFF800000> : vector<1xf32>
    %reduce_max3A_181 = vector.multi_reduction <maximumf>, %reduce_max3A_179, %reduce_max3A_180 [1, 2] : vector<1x1x256xf32> to vector<1xf32>
    %reduce_max3A_182 = vector.shape_cast %reduce_max3A_181 : vector<1xf32> to vector<1x1x1xf32>
    %reduce_max3A_183 = vector.extract %reduce_max3A_182[0, 0, 0] : f32 from vector<1x1x1xf32>
    %eq3A_184 = vector.broadcast %reduce_max3A_183 : f32 to vector<1x256xf32>
    %eq3A_185 = arith.cmpf oeq, %select_n3A_178, %eq3A_184 : vector<1x256xf32>
    %jit3A_186 = arith.constant 256 : i32
    %broadcast_in_dim3A_187 = vector.broadcast %jit3A_186 : i32 to vector<1x256xi32>
    %select_n3A_188 = arith.select %eq3A_185, %iota3A_100, %broadcast_in_dim3A_187 : vector<1x256xi1>, vector<1x256xi32>
    %reduce_min3A_189 = vector.shape_cast %select_n3A_188 : vector<1x256xi32> to vector<1x1x256xi32>
    %reduce_min3A_190 = arith.constant dense<2147483647> : vector<1xi32>
    %reduce_min3A_191 = vector.multi_reduction <minsi>, %reduce_min3A_189, %reduce_min3A_190 [1, 2] : vector<1x1x256xi32> to vector<1xi32>
    %reduce_min3A_192 = vector.shape_cast %reduce_min3A_191 : vector<1xi32> to vector<1x1x1xi32>
    %reduce_min3A_193 = vector.extract %reduce_min3A_192[0, 0, 0] : i32 from vector<1x1x1xi32>
    %eq3A_194 = vector.broadcast %reduce_min3A_193 : i32 to vector<1x256xi32>
    %eq3A_195 = arith.cmpi eq, %iota3A_100, %eq3A_194 : vector<1x256xi32>
    %jit3A_196 = arith.constant 0xFF800000 : f32
    %broadcast_in_dim3A_197 = vector.broadcast %jit3A_196 : f32 to vector<1x256xf32>
    %select_n3A_198 = arith.select %eq3A_195, %broadcast_in_dim3A_197, %select_n3A_178 : vector<1x256xi1>, vector<1x256xf32>
    %reduce_max3A_199 = vector.shape_cast %select_n3A_198 : vector<1x256xf32> to vector<1x1x256xf32>
    %reduce_max3A_200 = arith.constant dense<0xFF800000> : vector<1xf32>
    %reduce_max3A_201 = vector.multi_reduction <maximumf>, %reduce_max3A_199, %reduce_max3A_200 [1, 2] : vector<1x1x256xf32> to vector<1xf32>
    %reduce_max3A_202 = vector.shape_cast %reduce_max3A_201 : vector<1xf32> to vector<1x1x1xf32>
    %reduce_max3A_203 = vector.extract %reduce_max3A_202[0, 0, 0] : f32 from vector<1x1x1xf32>
    %eq3A_204 = vector.broadcast %reduce_max3A_203 : f32 to vector<1x256xf32>
    %eq3A_205 = arith.cmpf oeq, %select_n3A_198, %eq3A_204 : vector<1x256xf32>
    %jit3A_206 = arith.constant 256 : i32
    %broadcast_in_dim3A_207 = vector.broadcast %jit3A_206 : i32 to vector<1x256xi32>
    %select_n3A_208 = arith.select %eq3A_205, %iota3A_100, %broadcast_in_dim3A_207 : vector<1x256xi1>, vector<1x256xi32>
    %reduce_min3A_209 = vector.shape_cast %select_n3A_208 : vector<1x256xi32> to vector<1x1x256xi32>
    %reduce_min3A_210 = arith.constant dense<2147483647> : vector<1xi32>
    %reduce_min3A_211 = vector.multi_reduction <minsi>, %reduce_min3A_209, %reduce_min3A_210 [1, 2] : vector<1x1x256xi32> to vector<1xi32>
    %reduce_min3A_212 = vector.shape_cast %reduce_min3A_211 : vector<1xi32> to vector<1x1x1xi32>
    %reduce_min3A_213 = vector.extract %reduce_min3A_212[0, 0, 0] : i32 from vector<1x1x1xi32>
    %eq3A_214 = vector.broadcast %reduce_min3A_213 : i32 to vector<1x256xi32>
    %eq3A_215 = arith.cmpi eq, %iota3A_100, %eq3A_214 : vector<1x256xi32>
    %jit3A_216 = arith.constant 0xFF800000 : f32
    %broadcast_in_dim3A_217 = vector.broadcast %jit3A_216 : f32 to vector<1x256xf32>
    %select_n3A_218 = arith.select %eq3A_215, %broadcast_in_dim3A_217, %select_n3A_198 : vector<1x256xi1>, vector<1x256xf32>
    %reduce_max3A_219 = vector.shape_cast %select_n3A_218 : vector<1x256xf32> to vector<1x1x256xf32>
    %reduce_max3A_220 = arith.constant dense<0xFF800000> : vector<1xf32>
    %reduce_max3A_221 = vector.multi_reduction <maximumf>, %reduce_max3A_219, %reduce_max3A_220 [1, 2] : vector<1x1x256xf32> to vector<1xf32>
    %reduce_max3A_222 = vector.shape_cast %reduce_max3A_221 : vector<1xf32> to vector<1x1x1xf32>
    %reduce_max3A_223 = vector.extract %reduce_max3A_222[0, 0, 0] : f32 from vector<1x1x1xf32>
    %eq3A_224 = vector.broadcast %reduce_max3A_223 : f32 to vector<1x256xf32>
    %eq3A_225 = arith.cmpf oeq, %select_n3A_218, %eq3A_224 : vector<1x256xf32>
    %jit3A_226 = arith.constant 256 : i32
    %broadcast_in_dim3A_227 = vector.broadcast %jit3A_226 : i32 to vector<1x256xi32>
    %select_n3A_228 = arith.select %eq3A_225, %iota3A_100, %broadcast_in_dim3A_227 : vector<1x256xi1>, vector<1x256xi32>
    %reduce_min3A_229 = vector.shape_cast %select_n3A_228 : vector<1x256xi32> to vector<1x1x256xi32>
    %reduce_min3A_230 = arith.constant dense<2147483647> : vector<1xi32>
    %reduce_min3A_231 = vector.multi_reduction <minsi>, %reduce_min3A_229, %reduce_min3A_230 [1, 2] : vector<1x1x256xi32> to vector<1xi32>
    %reduce_min3A_232 = vector.shape_cast %reduce_min3A_231 : vector<1xi32> to vector<1x1x1xi32>
    %reduce_min3A_233 = vector.extract %reduce_min3A_232[0, 0, 0] : i32 from vector<1x1x1xi32>
    %eq3A_234 = vector.broadcast %reduce_min3A_233 : i32 to vector<1x256xi32>
    %eq3A_235 = arith.cmpi eq, %iota3A_100, %eq3A_234 : vector<1x256xi32>
    %jit3A_236 = arith.constant 0xFF800000 : f32
    %broadcast_in_dim3A_237 = vector.broadcast %jit3A_236 : f32 to vector<1x256xf32>
    %select_n3A_238 = arith.select %eq3A_235, %broadcast_in_dim3A_237, %select_n3A_218 : vector<1x256xi1>, vector<1x256xf32>
    %reduce_max3A_239 = vector.shape_cast %select_n3A_238 : vector<1x256xf32> to vector<1x1x256xf32>
    %reduce_max3A_240 = arith.constant dense<0xFF800000> : vector<1xf32>
    %reduce_max3A_241 = vector.multi_reduction <maximumf>, %reduce_max3A_239, %reduce_max3A_240 [1, 2] : vector<1x1x256xf32> to vector<1xf32>
    %reduce_max3A_242 = vector.shape_cast %reduce_max3A_241 : vector<1xf32> to vector<1x1x1xf32>
    %reduce_max3A_243 = vector.extract %reduce_max3A_242[0, 0, 0] : f32 from vector<1x1x1xf32>
    %eq3A_244 = vector.broadcast %reduce_max3A_243 : f32 to vector<1x256xf32>
    %eq3A_245 = arith.cmpf oeq, %select_n3A_238, %eq3A_244 : vector<1x256xf32>
    %jit3A_246 = arith.constant 256 : i32
    %broadcast_in_dim3A_247 = vector.broadcast %jit3A_246 : i32 to vector<1x256xi32>
    %select_n3A_248 = arith.select %eq3A_245, %iota3A_100, %broadcast_in_dim3A_247 : vector<1x256xi1>, vector<1x256xi32>
    %reduce_min3A_249 = vector.shape_cast %select_n3A_248 : vector<1x256xi32> to vector<1x1x256xi32>
    %reduce_min3A_250 = arith.constant dense<2147483647> : vector<1xi32>
    %reduce_min3A_251 = vector.multi_reduction <minsi>, %reduce_min3A_249, %reduce_min3A_250 [1, 2] : vector<1x1x256xi32> to vector<1xi32>
    %reduce_min3A_252 = vector.shape_cast %reduce_min3A_251 : vector<1xi32> to vector<1x1x1xi32>
    %reduce_min3A_253 = vector.extract %reduce_min3A_252[0, 0, 0] : i32 from vector<1x1x1xi32>
    %add3A_254 = arith.addf %reduce_max3A_104, %reduce_max3A_123 : f32
    %add3A_255 = arith.addf %add3A_254, %reduce_max3A_143 : f32
    %add3A_256 = arith.addf %add3A_255, %reduce_max3A_163 : f32
    %add3A_257 = arith.addf %add3A_256, %reduce_max3A_183 : f32
    %add3A_258 = arith.addf %add3A_257, %reduce_max3A_203 : f32
    %add3A_259 = arith.addf %add3A_258, %reduce_max3A_223 : f32
    %add3A_260 = arith.addf %add3A_259, %reduce_max3A_243 : f32
    %add3A_261 = arith.constant 9.99999971E-10 : f32
    %add3A_262 = arith.addf %add3A_260, %add3A_261 : f32
    %div3A_263 = arith.divf %reduce_max3A_104, %add3A_262 : f32
    %swap3A = arith.constant 0 : index
    %swap3A_264 = memref.load %arg2[%swap3A] : memref<8xf32, #tpu.memory_space<smem>>
    memref.store %div3A_263, %arg2[%swap3A] : memref<8xf32, #tpu.memory_space<smem>>
    %swap3A_265 = arith.constant 0 : index
    %swap3A_266 = memref.load %arg3[%swap3A_265] : memref<64xi32, #tpu.memory_space<smem>>
    memref.store %reduce_min3A_113, %arg3[%swap3A_265] : memref<64xi32, #tpu.memory_space<smem>>
    %swap3A_267 = arith.constant 1 : index
    %swap3A_268 = memref.load %arg3[%swap3A_267] : memref<64xi32, #tpu.memory_space<smem>>
    memref.store %reduce_min3A_113, %arg3[%swap3A_267] : memref<64xi32, #tpu.memory_space<smem>>
    %swap3A_269 = arith.constant 2 : index
    %swap3A_270 = memref.load %arg3[%swap3A_269] : memref<64xi32, #tpu.memory_space<smem>>
    memref.store %reduce_min3A_113, %arg3[%swap3A_269] : memref<64xi32, #tpu.memory_space<smem>>
    %swap3A_271 = arith.constant 3 : index
    %swap3A_272 = memref.load %arg3[%swap3A_271] : memref<64xi32, #tpu.memory_space<smem>>
    memref.store %reduce_min3A_113, %arg3[%swap3A_271] : memref<64xi32, #tpu.memory_space<smem>>
    %swap3A_273 = arith.constant 4 : index
    %swap3A_274 = memref.load %arg3[%swap3A_273] : memref<64xi32, #tpu.memory_space<smem>>
    memref.store %reduce_min3A_113, %arg3[%swap3A_273] : memref<64xi32, #tpu.memory_space<smem>>
    %swap3A_275 = arith.constant 5 : index
    %swap3A_276 = memref.load %arg3[%swap3A_275] : memref<64xi32, #tpu.memory_space<smem>>
    memref.store %reduce_min3A_113, %arg3[%swap3A_275] : memref<64xi32, #tpu.memory_space<smem>>
    %swap3A_277 = arith.constant 6 : index
    %swap3A_278 = memref.load %arg3[%swap3A_277] : memref<64xi32, #tpu.memory_space<smem>>
    memref.store %reduce_min3A_113, %arg3[%swap3A_277] : memref<64xi32, #tpu.memory_space<smem>>
    %swap3A_279 = arith.constant 7 : index
    %swap3A_280 = memref.load %arg3[%swap3A_279] : memref<64xi32, #tpu.memory_space<smem>>
    memref.store %reduce_min3A_113, %arg3[%swap3A_279] : memref<64xi32, #tpu.memory_space<smem>>
    %div3A_281 = arith.divf %reduce_max3A_123, %add3A_262 : f32
    %swap3A_282 = arith.constant 1 : index
    %swap3A_283 = memref.load %arg2[%swap3A_282] : memref<8xf32, #tpu.memory_space<smem>>
    memref.store %div3A_281, %arg2[%swap3A_282] : memref<8xf32, #tpu.memory_space<smem>>
    %swap3A_284 = arith.constant 8 : index
    %swap3A_285 = memref.load %arg3[%swap3A_284] : memref<64xi32, #tpu.memory_space<smem>>
    memref.store %reduce_min3A_133, %arg3[%swap3A_284] : memref<64xi32, #tpu.memory_space<smem>>
    %swap3A_286 = arith.constant 9 : index
    %swap3A_287 = memref.load %arg3[%swap3A_286] : memref<64xi32, #tpu.memory_space<smem>>
    memref.store %reduce_min3A_133, %arg3[%swap3A_286] : memref<64xi32, #tpu.memory_space<smem>>
    %swap3A_288 = arith.constant 10 : index
    %swap3A_289 = memref.load %arg3[%swap3A_288] : memref<64xi32, #tpu.memory_space<smem>>
    memref.store %reduce_min3A_133, %arg3[%swap3A_288] : memref<64xi32, #tpu.memory_space<smem>>
    %swap3A_290 = arith.constant 11 : index
    %swap3A_291 = memref.load %arg3[%swap3A_290] : memref<64xi32, #tpu.memory_space<smem>>
    memref.store %reduce_min3A_133, %arg3[%swap3A_290] : memref<64xi32, #tpu.memory_space<smem>>
    %swap3A_292 = arith.constant 12 : index
    %swap3A_293 = memref.load %arg3[%swap3A_292] : memref<64xi32, #tpu.memory_space<smem>>
    memref.store %reduce_min3A_133, %arg3[%swap3A_292] : memref<64xi32, #tpu.memory_space<smem>>
    %swap3A_294 = arith.constant 13 : index
    %swap3A_295 = memref.load %arg3[%swap3A_294] : memref<64xi32, #tpu.memory_space<smem>>
    memref.store %reduce_min3A_133, %arg3[%swap3A_294] : memref<64xi32, #tpu.memory_space<smem>>
    %swap3A_296 = arith.constant 14 : index
    %swap3A_297 = memref.load %arg3[%swap3A_296] : memref<64xi32, #tpu.memory_space<smem>>
    memref.store %reduce_min3A_133, %arg3[%swap3A_296] : memref<64xi32, #tpu.memory_space<smem>>
    %swap3A_298 = arith.constant 15 : index
    %swap3A_299 = memref.load %arg3[%swap3A_298] : memref<64xi32, #tpu.memory_space<smem>>
    memref.store %reduce_min3A_133, %arg3[%swap3A_298] : memref<64xi32, #tpu.memory_space<smem>>
    %div3A_300 = arith.divf %reduce_max3A_143, %add3A_262 : f32
    %swap3A_301 = arith.constant 2 : index
    %swap3A_302 = memref.load %arg2[%swap3A_301] : memref<8xf32, #tpu.memory_space<smem>>
    memref.store %div3A_300, %arg2[%swap3A_301] : memref<8xf32, #tpu.memory_space<smem>>
    %swap3A_303 = arith.constant 16 : index
    %swap3A_304 = memref.load %arg3[%swap3A_303] : memref<64xi32, #tpu.memory_space<smem>>
    memref.store %reduce_min3A_153, %arg3[%swap3A_303] : memref<64xi32, #tpu.memory_space<smem>>
    %swap3A_305 = arith.constant 17 : index
    %swap3A_306 = memref.load %arg3[%swap3A_305] : memref<64xi32, #tpu.memory_space<smem>>
    memref.store %reduce_min3A_153, %arg3[%swap3A_305] : memref<64xi32, #tpu.memory_space<smem>>
    %swap3A_307 = arith.constant 18 : index
    %swap3A_308 = memref.load %arg3[%swap3A_307] : memref<64xi32, #tpu.memory_space<smem>>
    memref.store %reduce_min3A_153, %arg3[%swap3A_307] : memref<64xi32, #tpu.memory_space<smem>>
    %swap3A_309 = arith.constant 19 : index
    %swap3A_310 = memref.load %arg3[%swap3A_309] : memref<64xi32, #tpu.memory_space<smem>>
    memref.store %reduce_min3A_153, %arg3[%swap3A_309] : memref<64xi32, #tpu.memory_space<smem>>
    %swap3A_311 = arith.constant 20 : index
    %swap3A_312 = memref.load %arg3[%swap3A_311] : memref<64xi32, #tpu.memory_space<smem>>
    memref.store %reduce_min3A_153, %arg3[%swap3A_311] : memref<64xi32, #tpu.memory_space<smem>>
    %swap3A_313 = arith.constant 21 : index
    %swap3A_314 = memref.load %arg3[%swap3A_313] : memref<64xi32, #tpu.memory_space<smem>>
    memref.store %reduce_min3A_153, %arg3[%swap3A_313] : memref<64xi32, #tpu.memory_space<smem>>
    %swap3A_315 = arith.constant 22 : index
    %swap3A_316 = memref.load %arg3[%swap3A_315] : memref<64xi32, #tpu.memory_space<smem>>
    memref.store %reduce_min3A_153, %arg3[%swap3A_315] : memref<64xi32, #tpu.memory_space<smem>>
    %swap3A_317 = arith.constant 23 : index
    %swap3A_318 = memref.load %arg3[%swap3A_317] : memref<64xi32, #tpu.memory_space<smem>>
    memref.store %reduce_min3A_153, %arg3[%swap3A_317] : memref<64xi32, #tpu.memory_space<smem>>
    %div3A_319 = arith.divf %reduce_max3A_163, %add3A_262 : f32
    %swap3A_320 = arith.constant 3 : index
    %swap3A_321 = memref.load %arg2[%swap3A_320] : memref<8xf32, #tpu.memory_space<smem>>
    memref.store %div3A_319, %arg2[%swap3A_320] : memref<8xf32, #tpu.memory_space<smem>>
    %swap3A_322 = arith.constant 24 : index
    %swap3A_323 = memref.load %arg3[%swap3A_322] : memref<64xi32, #tpu.memory_space<smem>>
    memref.store %reduce_min3A_173, %arg3[%swap3A_322] : memref<64xi32, #tpu.memory_space<smem>>
    %swap3A_324 = arith.constant 25 : index
    %swap3A_325 = memref.load %arg3[%swap3A_324] : memref<64xi32, #tpu.memory_space<smem>>
    memref.store %reduce_min3A_173, %arg3[%swap3A_324] : memref<64xi32, #tpu.memory_space<smem>>
    %swap3A_326 = arith.constant 26 : index
    %swap3A_327 = memref.load %arg3[%swap3A_326] : memref<64xi32, #tpu.memory_space<smem>>
    memref.store %reduce_min3A_173, %arg3[%swap3A_326] : memref<64xi32, #tpu.memory_space<smem>>
    %swap3A_328 = arith.constant 27 : index
    %swap3A_329 = memref.load %arg3[%swap3A_328] : memref<64xi32, #tpu.memory_space<smem>>
    memref.store %reduce_min3A_173, %arg3[%swap3A_328] : memref<64xi32, #tpu.memory_space<smem>>
    %swap3A_330 = arith.constant 28 : index
    %swap3A_331 = memref.load %arg3[%swap3A_330] : memref<64xi32, #tpu.memory_space<smem>>
    memref.store %reduce_min3A_173, %arg3[%swap3A_330] : memref<64xi32, #tpu.memory_space<smem>>
    %swap3A_332 = arith.constant 29 : index
    %swap3A_333 = memref.load %arg3[%swap3A_332] : memref<64xi32, #tpu.memory_space<smem>>
    memref.store %reduce_min3A_173, %arg3[%swap3A_332] : memref<64xi32, #tpu.memory_space<smem>>
    %swap3A_334 = arith.constant 30 : index
    %swap3A_335 = memref.load %arg3[%swap3A_334] : memref<64xi32, #tpu.memory_space<smem>>
    memref.store %reduce_min3A_173, %arg3[%swap3A_334] : memref<64xi32, #tpu.memory_space<smem>>
    %swap3A_336 = arith.constant 31 : index
    %swap3A_337 = memref.load %arg3[%swap3A_336] : memref<64xi32, #tpu.memory_space<smem>>
    memref.store %reduce_min3A_173, %arg3[%swap3A_336] : memref<64xi32, #tpu.memory_space<smem>>
    %div3A_338 = arith.divf %reduce_max3A_183, %add3A_262 : f32
    %swap3A_339 = arith.constant 4 : index
    %swap3A_340 = memref.load %arg2[%swap3A_339] : memref<8xf32, #tpu.memory_space<smem>>
    memref.store %div3A_338, %arg2[%swap3A_339] : memref<8xf32, #tpu.memory_space<smem>>
    %swap3A_341 = arith.constant 32 : index
    %swap3A_342 = memref.load %arg3[%swap3A_341] : memref<64xi32, #tpu.memory_space<smem>>
    memref.store %reduce_min3A_193, %arg3[%swap3A_341] : memref<64xi32, #tpu.memory_space<smem>>
    %swap3A_343 = arith.constant 33 : index
    %swap3A_344 = memref.load %arg3[%swap3A_343] : memref<64xi32, #tpu.memory_space<smem>>
    memref.store %reduce_min3A_193, %arg3[%swap3A_343] : memref<64xi32, #tpu.memory_space<smem>>
    %swap3A_345 = arith.constant 34 : index
    %swap3A_346 = memref.load %arg3[%swap3A_345] : memref<64xi32, #tpu.memory_space<smem>>
    memref.store %reduce_min3A_193, %arg3[%swap3A_345] : memref<64xi32, #tpu.memory_space<smem>>
    %swap3A_347 = arith.constant 35 : index
    %swap3A_348 = memref.load %arg3[%swap3A_347] : memref<64xi32, #tpu.memory_space<smem>>
    memref.store %reduce_min3A_193, %arg3[%swap3A_347] : memref<64xi32, #tpu.memory_space<smem>>
    %swap3A_349 = arith.constant 36 : index
    %swap3A_350 = memref.load %arg3[%swap3A_349] : memref<64xi32, #tpu.memory_space<smem>>
    memref.store %reduce_min3A_193, %arg3[%swap3A_349] : memref<64xi32, #tpu.memory_space<smem>>
    %swap3A_351 = arith.constant 37 : index
    %swap3A_352 = memref.load %arg3[%swap3A_351] : memref<64xi32, #tpu.memory_space<smem>>
    memref.store %reduce_min3A_193, %arg3[%swap3A_351] : memref<64xi32, #tpu.memory_space<smem>>
    %swap3A_353 = arith.constant 38 : index
    %swap3A_354 = memref.load %arg3[%swap3A_353] : memref<64xi32, #tpu.memory_space<smem>>
    memref.store %reduce_min3A_193, %arg3[%swap3A_353] : memref<64xi32, #tpu.memory_space<smem>>
    %swap3A_355 = arith.constant 39 : index
    %swap3A_356 = memref.load %arg3[%swap3A_355] : memref<64xi32, #tpu.memory_space<smem>>
    memref.store %reduce_min3A_193, %arg3[%swap3A_355] : memref<64xi32, #tpu.memory_space<smem>>
    %div3A_357 = arith.divf %reduce_max3A_203, %add3A_262 : f32
    %swap3A_358 = arith.constant 5 : index
    %swap3A_359 = memref.load %arg2[%swap3A_358] : memref<8xf32, #tpu.memory_space<smem>>
    memref.store %div3A_357, %arg2[%swap3A_358] : memref<8xf32, #tpu.memory_space<smem>>
    %swap3A_360 = arith.constant 40 : index
    %swap3A_361 = memref.load %arg3[%swap3A_360] : memref<64xi32, #tpu.memory_space<smem>>
    memref.store %reduce_min3A_213, %arg3[%swap3A_360] : memref<64xi32, #tpu.memory_space<smem>>
    %swap3A_362 = arith.constant 41 : index
    %swap3A_363 = memref.load %arg3[%swap3A_362] : memref<64xi32, #tpu.memory_space<smem>>
    memref.store %reduce_min3A_213, %arg3[%swap3A_362] : memref<64xi32, #tpu.memory_space<smem>>
    %swap3A_364 = arith.constant 42 : index
    %swap3A_365 = memref.load %arg3[%swap3A_364] : memref<64xi32, #tpu.memory_space<smem>>
    memref.store %reduce_min3A_213, %arg3[%swap3A_364] : memref<64xi32, #tpu.memory_space<smem>>
    %swap3A_366 = arith.constant 43 : index
    %swap3A_367 = memref.load %arg3[%swap3A_366] : memref<64xi32, #tpu.memory_space<smem>>
    memref.store %reduce_min3A_213, %arg3[%swap3A_366] : memref<64xi32, #tpu.memory_space<smem>>
    %swap3A_368 = arith.constant 44 : index
    %swap3A_369 = memref.load %arg3[%swap3A_368] : memref<64xi32, #tpu.memory_space<smem>>
    memref.store %reduce_min3A_213, %arg3[%swap3A_368] : memref<64xi32, #tpu.memory_space<smem>>
    %swap3A_370 = arith.constant 45 : index
    %swap3A_371 = memref.load %arg3[%swap3A_370] : memref<64xi32, #tpu.memory_space<smem>>
    memref.store %reduce_min3A_213, %arg3[%swap3A_370] : memref<64xi32, #tpu.memory_space<smem>>
    %swap3A_372 = arith.constant 46 : index
    %swap3A_373 = memref.load %arg3[%swap3A_372] : memref<64xi32, #tpu.memory_space<smem>>
    memref.store %reduce_min3A_213, %arg3[%swap3A_372] : memref<64xi32, #tpu.memory_space<smem>>
    %swap3A_374 = arith.constant 47 : index
    %swap3A_375 = memref.load %arg3[%swap3A_374] : memref<64xi32, #tpu.memory_space<smem>>
    memref.store %reduce_min3A_213, %arg3[%swap3A_374] : memref<64xi32, #tpu.memory_space<smem>>
    %div3A_376 = arith.divf %reduce_max3A_223, %add3A_262 : f32
    %swap3A_377 = arith.constant 6 : index
    %swap3A_378 = memref.load %arg2[%swap3A_377] : memref<8xf32, #tpu.memory_space<smem>>
    memref.store %div3A_376, %arg2[%swap3A_377] : memref<8xf32, #tpu.memory_space<smem>>
    %swap3A_379 = arith.constant 48 : index
    %swap3A_380 = memref.load %arg3[%swap3A_379] : memref<64xi32, #tpu.memory_space<smem>>
    memref.store %reduce_min3A_233, %arg3[%swap3A_379] : memref<64xi32, #tpu.memory_space<smem>>
    %swap3A_381 = arith.constant 49 : index
    %swap3A_382 = memref.load %arg3[%swap3A_381] : memref<64xi32, #tpu.memory_space<smem>>
    memref.store %reduce_min3A_233, %arg3[%swap3A_381] : memref<64xi32, #tpu.memory_space<smem>>
    %swap3A_383 = arith.constant 50 : index
    %swap3A_384 = memref.load %arg3[%swap3A_383] : memref<64xi32, #tpu.memory_space<smem>>
    memref.store %reduce_min3A_233, %arg3[%swap3A_383] : memref<64xi32, #tpu.memory_space<smem>>
    %swap3A_385 = arith.constant 51 : index
    %swap3A_386 = memref.load %arg3[%swap3A_385] : memref<64xi32, #tpu.memory_space<smem>>
    memref.store %reduce_min3A_233, %arg3[%swap3A_385] : memref<64xi32, #tpu.memory_space<smem>>
    %swap3A_387 = arith.constant 52 : index
    %swap3A_388 = memref.load %arg3[%swap3A_387] : memref<64xi32, #tpu.memory_space<smem>>
    memref.store %reduce_min3A_233, %arg3[%swap3A_387] : memref<64xi32, #tpu.memory_space<smem>>
    %swap3A_389 = arith.constant 53 : index
    %swap3A_390 = memref.load %arg3[%swap3A_389] : memref<64xi32, #tpu.memory_space<smem>>
    memref.store %reduce_min3A_233, %arg3[%swap3A_389] : memref<64xi32, #tpu.memory_space<smem>>
    %swap3A_391 = arith.constant 54 : index
    %swap3A_392 = memref.load %arg3[%swap3A_391] : memref<64xi32, #tpu.memory_space<smem>>
    memref.store %reduce_min3A_233, %arg3[%swap3A_391] : memref<64xi32, #tpu.memory_space<smem>>
    %swap3A_393 = arith.constant 55 : index
    %swap3A_394 = memref.load %arg3[%swap3A_393] : memref<64xi32, #tpu.memory_space<smem>>
    memref.store %reduce_min3A_233, %arg3[%swap3A_393] : memref<64xi32, #tpu.memory_space<smem>>
    %div3A_395 = arith.divf %reduce_max3A_243, %add3A_262 : f32
    %swap3A_396 = arith.constant 7 : index
    %swap3A_397 = memref.load %arg2[%swap3A_396] : memref<8xf32, #tpu.memory_space<smem>>
    memref.store %div3A_395, %arg2[%swap3A_396] : memref<8xf32, #tpu.memory_space<smem>>
    %swap3A_398 = arith.constant 56 : index
    %swap3A_399 = memref.load %arg3[%swap3A_398] : memref<64xi32, #tpu.memory_space<smem>>
    memref.store %reduce_min3A_253, %arg3[%swap3A_398] : memref<64xi32, #tpu.memory_space<smem>>
    %swap3A_400 = arith.constant 57 : index
    %swap3A_401 = memref.load %arg3[%swap3A_400] : memref<64xi32, #tpu.memory_space<smem>>
    memref.store %reduce_min3A_253, %arg3[%swap3A_400] : memref<64xi32, #tpu.memory_space<smem>>
    %swap3A_402 = arith.constant 58 : index
    %swap3A_403 = memref.load %arg3[%swap3A_402] : memref<64xi32, #tpu.memory_space<smem>>
    memref.store %reduce_min3A_253, %arg3[%swap3A_402] : memref<64xi32, #tpu.memory_space<smem>>
    %swap3A_404 = arith.constant 59 : index
    %swap3A_405 = memref.load %arg3[%swap3A_404] : memref<64xi32, #tpu.memory_space<smem>>
    memref.store %reduce_min3A_253, %arg3[%swap3A_404] : memref<64xi32, #tpu.memory_space<smem>>
    %swap3A_406 = arith.constant 60 : index
    %swap3A_407 = memref.load %arg3[%swap3A_406] : memref<64xi32, #tpu.memory_space<smem>>
    memref.store %reduce_min3A_253, %arg3[%swap3A_406] : memref<64xi32, #tpu.memory_space<smem>>
    %swap3A_408 = arith.constant 61 : index
    %swap3A_409 = memref.load %arg3[%swap3A_408] : memref<64xi32, #tpu.memory_space<smem>>
    memref.store %reduce_min3A_253, %arg3[%swap3A_408] : memref<64xi32, #tpu.memory_space<smem>>
    %swap3A_410 = arith.constant 62 : index
    %swap3A_411 = memref.load %arg3[%swap3A_410] : memref<64xi32, #tpu.memory_space<smem>>
    memref.store %reduce_min3A_253, %arg3[%swap3A_410] : memref<64xi32, #tpu.memory_space<smem>>
    %swap3A_412 = arith.constant 63 : index
    %swap3A_413 = memref.load %arg3[%swap3A_412] : memref<64xi32, #tpu.memory_space<smem>>
    memref.store %reduce_min3A_253, %arg3[%swap3A_412] : memref<64xi32, #tpu.memory_space<smem>>
    return
  }
}

</mosaic_0001>

<sc_bundles>
// kernel: kernel.5.cloned.1.call-start
scs
__scs_entry_jumppad:
0x0: {  	(pc) =	sbr.rel $0x88, $3  }
0x1: {  	(tag) =	ssettag $0x0;
	lr =	simm.s32 $0x1  }
0x2: {  	[smem:$0x3F9E] =	sst lr;
	_ =	strace $0xD0000000  }
0x3: {  	_ = 	snop  }
0x4: {  	_ = 	snop  }
0x5: {  	_ = 	snop  }
0x6: {  	_ = 	snop  }
0x7: {  	_ = 	snop  }
__scs_overlays_trampoline_lowered:
0x8: {  	[smem:$0x3FAD] =	sst s0  }
0x9: {  	[smem:$0x3FAE] =	sst s1  }
0xa: {  	[smem:$0x3FAF] =	sst s2  }
0xb: {  	[smem:$0x3FB0] =	sst s3  }
0xc: {  	[smem:$0x3FB1] =	sst s4  }
0xd: {  	[smem:$0x3FB2] =	sst s5  }
0xe: {  	[smem:$0x3FB3] =	sst s6  }
0xf: {  	[smem:$0x3FB4] =	sst s7  }
0x10: {  	[smem:$0x3FB5] =	sst s8  }
0x11: {  	[smem:$0x3FB6] =	sst s9;
	s0 =	simm.s32 @!p0 $0x0  }
0x12: {  	s1 =	sld [smem:$0x3F9C];
	s0 =	simm.s32 @p0 $0x1  }
0x13: {  	[smem:$0x3FB7] =	sst s0;
	s0 =	simm.s32 @!p1 $0x0  }
0x14: {  	s2 =	sld [smem:$0x3F9B];
	s0 =	simm.s32 @p1 $0x1  }
0x15: {  	[smem:$0x3FB8] =	sst s0;
	s0 =	simm.s32 @!p2 $0x0  }
0x16: {  	s3 =	sld [smem:$0x3FDB];
	s0 =	simm.s32 @p2 $0x1  }
0x17: {  	s4 =	simm.s32 $0x1BF5;
	[smem:$0x3FBA] =	sst s0  }
0x18: {  	s0 =	sld [smem:$0x3F9D];
	_ =	swait.ge [sflag:s4], $0x0  }
0x19: {  	s7 =	sld [smem:$0x3F9E]  }
0x1a: {  	s8 =	sadd.s32 $0xFFFFE003, lr  }
0x1b: {  	s9 =	sadd.s32 $0xFFFFFEF7, lr;
	s5 =	simm.s32 $0xFFFFFFFF;
	p2 =	slt.u32 s8, $0xFFFFF086  }
0x1c: {  	p1 =	slt.u32 s9, $0xF7A;
	s5 =	simm.s32 @!p2 $0x0  }
0x1d: {  	s5 =	simm.s32 @p1 $0x1;
	p0 =	seq.s32 s7, s2  }
0x1e: {  	s7 =	smul.u32 @!p0 $0xF7A, s2;
	p2 =	seq.s32 @!p0 s5, $0x0  }
0x1f: {  	s9 =	smul.u32 $0xF7A, s1;
	s8 =	simm.s32 @!p0 $0x1BF5;
	p2 =	por !p2, p0  }
0x20: {  	[sflag:s8] =	ssyncset.s32 @!p0 $0xFFFFF086;
	s6 =	sadd.s32 @!p0 s3, s7;
	s7 =	simm.s32 @!p0 $0x108  }
0x21: {  	s3 =	sadd.s32 s3, s9;
	s6 =	sadd.s32 @!p0 $0x88, s6;
	s7 =	simm.s32 @p2 $0x1082  }
0x22: {  	[simem:s7], [sflag:s8] =	dma.local @!p0 [hbm:s6], $0xF7A  }
0x23: {  	s9 =	sor.u32 $0xD0000000, s2;
	s6 =	simm.s32 $0x108;
	_ =	swait.ge @!p0 [sflag:s8], $0x0  }
0x24: {  	s3 =	sadd.s32 $0x88, s3;
	s6 =	simm.s32 @!p1 $0x1082;
	[sflag:s4] =	ssyncset.s32 $0xFFFFF086  }
0x25: {  	[simem:s6], [sflag:s4] =	dma.local [hbm:s3], $0xF7A  }
0x26: {  	[smem:$0x3F9E] =	sst s1;
	(tag) =	ssettag s2;
	_ =	strace s9  }
0x27: {  	s1 =	sld [smem:$0x3FAE]  }
0x28: {  	s2 =	sld [smem:$0x3FAF]  }
0x29: {  	s4 =	sld [smem:$0x3FB1]  }
0x2a: {  	p0 =	seq.s32 s5, $0x0;
	s5 =	sld [smem:$0x3FB2]  }
0x2b: {  	s6 =	sld [smem:$0x3FB3]  }
0x2c: {  	s7 =	sld [smem:$0x3FB4]  }
0x2d: {  	s3 =	simm.s32 $0x108;
	s8 =	sld [smem:$0x3FB5]  }
0x2e: {  	s3 =	simm.s32 @!p0 $0x1082;
	s9 =	sld [smem:$0x3FB6]  }
0x2f: {  	lr =	sadd.s32 s0, s3;
	s0 =	sld [smem:$0x3FAD]  }
0x30: {  	s3 =	sld [smem:$0x3FB0]  }
0x31: {  	[smem:$0x3FB9] =	sst s10  }
0x32: {  	s10 =	sld [smem:$0x3FB7];
	_ =	sdelay $0x3  }
0x33: {  	p0 =	seq.s32 s10, $0x1;
	s10 =	sld [smem:$0x3FB9];
	_ =	sdelay $0x3  }
0x34: {  	[smem:$0x3FB9] =	sst s10  }
0x35: {  	s10 =	sld [smem:$0x3FB8];
	_ =	sdelay $0x3  }
0x36: {  	p1 =	seq.s32 s10, $0x1;
	s10 =	sld [smem:$0x3FB9];
	_ =	sdelay $0x3  }
0x37: {  	[smem:$0x3FB9] =	sst s10  }
0x38: {  	s10 =	sld [smem:$0x3FBA]  }
0x39: {  	_ = 	snop;
	(pc) =	sbr.ind lr, $3  }
0x3a: {  	_ = 	snop  }
0x3b: {  	_ = 	snop  }
0x3c: {  	p2 =	seq.s32 s10, $0x1;
	s10 =	sld [smem:$0x3FB9]  }
0x3d: {  	_ =	shalt  }
0x3e: {  	_ =	shalt  }
0x3f: {  	_ =	shalt  }
0x40: {  	_ =	shalt  }
0x41: {  	_ =	shalt  }
0x42: {  	_ =	shalt  }
0x43: {  	_ =	shalt  }
0x44: {  	_ =	shalt  }
0x45: {  	_ =	shalt  }
0x46: {  	_ =	shalt  }
0x47: {  	_ =	shalt  }
0x48: {  	_ =	shalt  }
0x49: {  	_ =	shalt  }
0x4a: {  	_ =	shalt  }
0x4b: {  	_ =	shalt  }
0x4c: {  	_ =	shalt  }
0x4d: {  	_ =	shalt  }
0x4e: {  	_ =	shalt  }
0x4f: {  	_ =	shalt  }
0x50: {  	_ =	shalt  }
0x51: {  	_ =	shalt  }
0x52: {  	_ =	shalt  }
0x53: {  	_ =	shalt  }
0x54: {  	_ =	shalt  }
0x55: {  	_ =	shalt  }
0x56: {  	_ =	shalt  }
0x57: {  	_ =	shalt  }
0x58: {  	_ =	shalt  }
0x59: {  	_ =	shalt  }
0x5a: {  	_ =	shalt  }
0x5b: {  	_ =	shalt  }
0x5c: {  	_ =	shalt  }
0x5d: {  	_ =	shalt  }
0x5e: {  	_ =	shalt  }
0x5f: {  	_ =	shalt  }
0x60: {  	_ =	shalt  }
0x61: {  	_ =	shalt  }
0x62: {  	_ =	shalt  }
0x63: {  	_ =	shalt  }
0x64: {  	_ =	shalt  }
0x65: {  	_ =	shalt  }
0x66: {  	_ =	shalt  }
0x67: {  	_ =	shalt  }
0x68: {  	_ =	shalt  }
0x69: {  	_ =	shalt  }
0x6a: {  	_ =	shalt  }
0x6b: {  	_ =	shalt  }
0x6c: {  	_ =	shalt  }
0x6d: {  	_ =	shalt  }
0x6e: {  	_ =	shalt  }
0x6f: {  	_ =	shalt  }
0x70: {  	_ =	shalt  }
0x71: {  	_ =	shalt  }
0x72: {  	_ =	shalt  }
0x73: {  	_ =	shalt  }
0x74: {  	_ =	shalt  }
0x75: {  	_ =	shalt  }
0x76: {  	_ =	shalt  }
0x77: {  	_ =	shalt  }
0x78: {  	_ =	shalt  }
0x79: {  	_ =	shalt  }
0x7a: {  	_ =	shalt  }
0x7b: {  	_ =	shalt  }
0x7c: {  	_ =	shalt  }
0x7d: {  	_ =	shalt  }
0x7e: {  	_ =	shalt  }
0x7f: {  	_ =	shalt  }
0x80: {  	_ =	shalt  }
0x81: {  	_ =	shalt  }
0x82: {  	_ =	shalt  }
0x83: {  	_ =	shalt  }
0x84: {  	_ =	shalt  }
0x85: {  	_ =	shalt  }
0x86: {  	_ =	shalt  }
0x87: {  	_ =	shalt  }
.Lfunc_end0:
.L_simem_size_0:
called_computation_lowered:
.L_overlay_start_0:
0x88: {  	s2 =	sld [smem:$0x3FD9]  }
0x89: {  	s3 =	sld [smem:$0x3FFE];
	_ =	sdelay $0x1  }
0x8a: {  	s1 =	srdreg.scid  }
0x8b: {  	s0 =	sand.u32 $0x1, s1  }
0x8c: {  	s17 =	sshll.u32 s0, $0xA;
	s2 =	sadd.s32 s3, s2  }
0x8d: {  	s2 =	sadd.s32 s2, s17  }
0x8e: {  	[smem:$0x3FC5] =	sst s2  }
0x8f: {  	_ = 	snop  }
0x90: {  	s2 =	sld [smem:$0x3FC7]  }
0x91: {  	s18 =	sld [smem:$0x3FD0];
	(tm) =	ssettm $0x1  }
0x92: {  	s4 =	sld [smem:$0x3FFB];
	_ =	sdelay $0x3  }
0x93: {  	_ =	strace s4  }
0x94: {  	s4 =	sld [smem:$0x3FFC];
	_ =	sdelay $0x3  }
0x95: {  	_ =	strace s4  }
0x96: {  	s4 =	sld [smem:$0x3FFD];
	_ =	sdelay $0x3  }
0x97: {  	_ =	strace s4  }
0x98: {  	_ =	strace $0x8FFFFFFF  }
0x99: {  	s19 =	sld [smem:$0x3FDB];
	_ =	sdelay $0x1  }
0x9a: {  	s5 =	simm.s32 $_scs_section_size  }
0x9b: {  	s6 =	simm.s32 $_size__tile_overlayer_lowered;
	s7 =	simm.s32 $_tile_overlayer_lowered  }
0x9c: {  	s22 =	simm.s32 $0x1BFF;
	s21 =	sshll.u32 s7, $0x1;
	s4 =	sadd.s32 s5, s19  }
0x9d: {  	s8 =	simm.s32 $0x0;
	s20 =	sshll.u32 s6, $0x1;
	s6 =	sadd.s32 s21, s4  }
0x9e: {  	[timem:s8], [sflag:s22] =	dma.local [hbm:s6], s20  }
0x9f: {  	_ =	swait.ge [sflag:s22], s20  }
0xa0: {  	s5 =	ssub.s32 $0x0, s20;
	[sflag:s22] =	ssyncset.done $0x0  }
0xa1: {  	[sflag:s22] =	ssyncadd.s32 s5;
	_ =	sdelay $0x1  }
0xa2: {  	s23 =	simm.s32 $0x1B8B  }
0xa3: {  	_ =	swait.ge [sflag:s23], $0x1  }
0xa4: {  	[sflag:s23] =	ssyncset.done $0x0  }
0xa5: {  	s25 =	simm.s32 $0x1B8E;
	s24 =	sld [smem:$0x3FFE];
	[sflag:s23] =	ssyncadd.s32 $0xFFFFFFFF  }
0xa6: {  	s26 =	simm.s32 $execute0_lowered;
	[smem:$0x3FD2] =	sst s25  }
0xa7: {  	s6 =	sshll.u32 s26, $0x1;
	_ =	strace $0x80000046;
	[dreg:$0x1] =	wrdreg $0xFFFFFFFF  }
0xa8: {  	s28 =	simm.s32 $_size_execute0_lowered;
	s4 =	sadd.s32 s4, s6;
	[dreg:$0x0] =	wrdreg $0x0  }
0xa9: {  	s6 =	sshll.u32 s28, $0x1;
	[dreg:$0x2] =	wrdreg s4  }
0xaa: {  	[dreg:$0x3] =	wrdreg s6  }
0xab: {  	[dreg:$0x4] =	wrdreg $0xC0  }
0xac: {  	_ =	task [dreg:s8], $0x5FFFF  }
0xad: {  	[dreg:$0x1] =	wrdreg $0xFFFFFFFF  }
0xae: {  	[dreg:$0x0] =	wrdreg $0x60  }
0xaf: {  	[dreg:$0x2] =	wrdreg s2  }
0xb0: {  	[dreg:$0x3] =	wrdreg s24  }
0xb1: {  	[dreg:$0x4] =	wrdreg s18  }
0xb2: {  	[dreg:$0x5] =	wrdreg $0x9  }
0xb3: {  	_ =	task.clear_ibuf [dreg:s8], $0x6FFFF;
	_ =	strace $0x90000046  }
0xb4: {  	s29 =	simm.s32 $0x9;
	_ =	strace $0x80000048  }
0xb5: {  	_ =	swait.ge [sflag:s29], $0x1  }
0xb6: {  	[sflag:s29] =	ssyncadd.s32 $0xFFFFFFFF  }
0xb7: {  	_ =	strace $0x90000048  }
0xb8: {  	_ =	sfence  }
0xb9: {  	s30 =	sld [smem:$0x0];
	_ =	sdelay $0x2  }
0xba: {  	s31 =	sshll.u32 s1, $0xD;
	s1 =	sshrl.u32 s1, $0x2  }
0xbb: {  	s3 =	sand.u32 $0x4000, s31;
	s1 =	sadd.s32 s1, s30  }
0xbc: {  	s0 =	sor.u32 s3, s0;
	s1 =	sshll.u32 s1, $0x11  }
0xbd: {  	s0 =	sor.u32 s1, s0  }
0xbe: {  	s0 =	sadd.s32 $0x8F2B, s0  }
0xbf: {  	[sflag:s0] =	ssyncadd.remote.s32 $0x1  }
0xc0: {  	_ =	sfence.sel $0xFFFF  }
0xc1: {  	[dreg:$0x0] =	wrdreg $0xFFFFFFFF;
	(pc) =	sbr.abs _section_cstart, $3  }
0xc2: {  	[dreg:$0x1] =	wrdreg $0xFFFFFFFF  }
0xc3: {  	_ =	task.clear_ibuf [dreg:s8], $0x2FFFF;
	_ =	strace $0x9FFFFFFF  }
0xc4: {  	(tm) =	ssettm $0x7FFFFFFF  }
0xc5: {  	_ =	shalt  }
tec
execute0_lowered:
.L_overlay_start_1:
0x0: {  	(tag) =	ssettag $0x1  }
0x1: {  	s1 =	srdreg.scid  }
0x2: {  	s6 =	sand.u32 $0x1, s1  }
0x3: {  	s2 =	stileid.u32;
	s7 =	sshll.u32 s6, $0x4  }
0x4: {  	s7 =	sor.u32 s2, s7  }
0x5: {  	p0 =	sgt.u32 s7, $0x7  }
.Ltmp0:
0x6: {  	s0 =	rddreg [dreg:$0x0];
	(pc) =	sbr.rel @p0 .LBB2_7-.Ltmp0, $4  }
0x7: {  	s4 =	rddreg [dreg:$0x1]  }
0x8: {  	s5 =	rddreg [dreg:$0x2];
	s3 =	simm.s32 $0x0  }
0x9: {  	[smem:$0x7FF] =	sst s3  }
0xa: {  	s1 =	rddreg [dreg:$0x3];
	_ =	strace $0x80000047  }
0xb: {  	s6 =	ssub.s32 $0x2, s6;
	s7 =	sshll.u32 s2, $0x4;
	s4 =	sadd.s32 $0xC00, s4  }
0xc: {  	s9 =	simm.s32 $0x1;
	s10 =	simm.s32 $0x2;
	s8 =	sshrl.u32 s6, $0x1  }
0xd: {  	s11 =	simm.s32 $0x0;
	s5 =	sadd.s32 s5, s7;
	s8 =	ssub.s32 s6, s8  }
0xe: {  	vm0 =	vmmov $0x1;
	v0 =	vlaneseq.u32;
	s6 =	sshll.u32 s2, $0x3;
	s7 =	sadd.s32 $0x9000, s5;
	s8 =	smax.u32 s8, $0x1  }
.LBB2_2:
0xf: {  	s13 =	simm.s32 $0x0  }
0x10: {  	[tilespmem:s13], [sflag:$0x1] =	stream.linear.gather [hbm4b:s4+s13], $0x80, $0x38;
	[tilespmem:$0x12080] =	vst v63  }
0x11: {  	_ =	swait.ge [sflag:s9], $0x80  }
0x12: {  	[sflag:s9] =	ssyncset.done $0x0  }
0x13: {  	[sflag:s9] =	ssyncadd.s32 $0xFFFFFF80  }
0x14: {  	v1 =	vld.msk [tilespmem:s6+$0x0], $0x1;
	_ =	sdelay $0x4  }
0x15: {  	v1 =	vmul.u32 $0x12000, v1;
	_ =	sdelay $0x1  }
0x16: {  	v1 =	vperm.xlane v1, v0;
	_ =	sdelay $0x4  }
0x17: {  	s12 =	simm.s32 $0x80  }
0x18: {  	[tilespmem:s12], [sflag:$0x2] =	stream.indirect_vreg.gather [hbm4b:s0+s13], $0x12000, v1, vm0, $0x38;
	[tilespmem:$0x12080] =	vst v63  }
0x19: {  	_ =	swait.ge [sflag:s10], $0x12000  }
0x1a: {  	s15 =	sadd.s32 $0x0, s5;
	[sflag:s10] =	ssyncset.done $0x0  }
0x1b: {  	s14 =	simm.s32 $0x180;
	s13 =	simm.s32 $0x80;
	[sflag:s10] =	ssyncadd.s32 $0xFFFEE000  }
.LBB2_3:
0x1c: {  	[hbm4b:s15+s3] =	stream.linear.scatter [tilespmem:s12], [sflag:$0x2], $0x80, $0x38;
	[tilespmem:$0x12080] =	vst v63  }
0x1d: {  	s15 =	smov.u32 s13;
	s12 =	smov.u32 s14;
	p0 =	sne.s32 s13, $0x8F80  }
.Ltmp1:
0x1e: {  	s13 =	sadd.s32 $0x80, s13;
	(pc) =	sbr.rel @p0 .LBB2_3-.Ltmp1, $2  }
0x1f: {  	_ =	sdelay $0x2  }
0x20: {  	s14 =	sadd.s32 $0x100, s14;
	s15 =	sadd.s32 s15, s5  }
0x21: {  	[hbm4b:s15+s3] =	stream.linear.scatter [tilespmem:s12], [sflag:$0x2], $0x80, $0x38;
	[tilespmem:$0x12080] =	vst v63  }
0x22: {  	s12 =	simm.s32 $0x100  }
0x23: {  	s13 =	simm.s32 $0x80;
	s15 =	sadd.s32 $0x0, s7;
	s14 =	simm.s32 $0x200  }
.LBB2_5:
0x24: {  	[hbm4b:s15+s3] =	stream.linear.scatter [tilespmem:s12], [sflag:$0x2], $0x80, $0x38;
	[tilespmem:$0x12080] =	vst v63  }
0x25: {  	s15 =	smov.u32 s13;
	s12 =	smov.u32 s14;
	p0 =	sne.s32 s13, $0x8F80  }
.Ltmp2:
0x26: {  	s13 =	sadd.s32 $0x80, s13;
	(pc) =	sbr.rel @p0 .LBB2_5-.Ltmp2, $2  }
0x27: {  	_ =	sdelay $0x2  }
0x28: {  	s14 =	sadd.s32 $0x100, s14;
	s15 =	sadd.s32 s15, s7  }
0x29: {  	[hbm4b:s15+s3] =	stream.linear.scatter [tilespmem:s12], [sflag:$0x2], $0x80, $0x38;
	[tilespmem:$0x12080] =	vst v63  }
0x2a: {  	s11 =	sadd.s32 $0x1, s11  }
0x2b: {  	_ =	swait.ge [sflag:s10], $0x9000;
	p0 =	sne.s32 s11, s8  }
.Ltmp3:
0x2c: {  	[sflag:s10] =	ssyncset.done $0x0;
	(pc) =	sbr.rel @p0 .LBB2_2-.Ltmp3, $4  }
0x2d: {  	[sflag:s10] =	ssyncadd.s32 $0xFFFF7000  }
0x2e: {  	_ =	swait.ge [sflag:s10], $0x9000  }
0x2f: {  	[sflag:s10] =	ssyncset.done $0x0  }
0x30: {  	[sflag:s10] =	ssyncadd.s32 $0xFFFF7000  }
.LBB2_7:
0x31: {  	_ =	sfence.sel $0x180000  }
0x32: {  	[bflag:$0x0] =	sbarrier.arrive $0xFFFF  }
0x33: {  	p0 =	sne.s32 s2, $0x0;
	_ =	strace $0x90000047  }
0x34: {  	s0 =	sadd.s32 @!p0 $0x100000, s1;
	[bflag:$0x2] =	sbarrier.arrive $0xFFFF  }
0x35: {  	[sflag:s0] =	ssyncadd.tile.s32 @!p0 $0x1;
	_ =	shalt  }
.Lfunc_end2:
_tile_overlayer_lowered:
.L_overlay_start_2:
0x36: {  	(tag) =	ssettag $0x2  }
0x37: {  	s0 =	rddreg [dreg:$0x0];
	s2 =	stileid.u32  }
0x38: {  	s1 =	rddreg [dreg:$0x1];
	p0 =	sne.s32 s2, $0x0  }
0x39: {  	s3 =	rddreg [dreg:$0x2];
	[bflag:$0x3] =	sbarrier.arrive $0xFFFF;
	s2 =	simm.s32 @!p0 $0x1C03  }
0x3a: {  	[timem:s3], [sflag:s2] =	dma.local @!p0 [hbm:s0], s1  }
0x3b: {  	s0 =	simm.s32 @!p0 $0x3  }
0x3c: {  	_ =	swait.ge @!p0 [sflag:s0], s1  }
0x3d: {  	s1 =	ssub.s32 @!p0 $0x0, s1;
	[sflag:s0] =	ssyncset.done @!p0 $0x0  }
0x3e: {  	[sflag:s0] =	ssyncadd.s32 @!p0 s1  }
0x3f: {  	[bflag:$0x3] =	sbarrier.arrive $0xFFFF  }
0x40: {  	_ =	shalt  }

</sc_bundles>
